<compile_context>
chip_gen: v7x
topology: tpu7x:2x2x1
jax: 0.10.2.dev20260603
libtpu: 0.0.44.dev20260713+nightly
codegen_flags: <defaults>
</compile_context>

<pallas_src>
import functools

import jax
import jax.numpy as jnp
from jax import lax
from jax.experimental import pallas as pl
from jax.experimental.pallas import tpu as pltpu
from jax.experimental.pallas import tpu_sc as plsc

NUM_ROWS = 1_000_000
DIM = 32
IDS = 16384
SEQ = 50
BATCH = IDS * SEQ

NC = 2
NS = 16
NW = NC * NS
IDS_PER_W = IDS // NW
B_PER_W = BATCH // NW
TBLK = 16
CHUNK = TBLK * SEQ
N_BLKS = IDS_PER_W // TBLK
NBUF = 2

_mesh = plsc.VectorSubcoreMesh(core_axis_name="c", subcore_axis_name="s")


@functools.partial(
    pl.kernel,
    mesh=_mesh,
    out_type=jax.ShapeDtypeStruct((SEQ * DIM, IDS), jnp.float32),
    compiler_params=pltpu.CompilerParams(
        use_tc_tiling_on_sc=False, needs_layout_passes=False
    ),
    scratch_types=[
        pltpu.VMEM((B_PER_W,), jnp.int32),
        [pltpu.VMEM((CHUNK, DIM), jnp.float32) for _ in range(NBUF)],
        [pltpu.VMEM((SEQ * DIM, TBLK), jnp.float32) for _ in range(NBUF)],
        [pltpu.SemaphoreType.DMA for _ in range(NBUF)],
        [pltpu.SemaphoreType.DMA for _ in range(NBUF)],
    ],
)
def _gather_kernel(table_hbm, idx_hbm, out_hbm, idx_v, rows, trans, sem_g,
                   sem_o):
    wid = lax.axis_index("s") * NC + lax.axis_index("c")
    base = wid * B_PER_W
    id0 = wid * IDS_PER_W

    pltpu.sync_copy(idx_hbm.at[pl.ds(base, B_PER_W)], idx_v)

    lane = lax.iota(jnp.int32, 16)

    def gather_desc(g, b):
        return pltpu.make_async_copy(
            table_hbm.at[idx_v.at[pl.ds(g * CHUNK, CHUNK)]], rows[b], sem_g[b]
        )

    def store_descs(g, b):
        return [
            pltpu.make_async_copy(
                trans[b],
                out_hbm.at[:, pl.ds(id0 + g * TBLK, TBLK)],
                sem_o[b],
            )
        ]

    def transpose_block(b):
        t_vecs = [jnp.full((16,), t, jnp.int32) for t in range(TBLK)]

        def j_body(j, carry):
            row_lo = lane + j * jnp.int32(DIM)
            row_hi = row_lo + jnp.int32(16)
            for t in range(TBLK):
                r = t * SEQ + j
                lo = rows[b][r, pl.ds(0, 16)]
                hi = rows[b][r, pl.ds(16, 16)]
                plsc.store_scatter(trans[b], [row_lo, t_vecs[t]], lo)
                plsc.store_scatter(trans[b], [row_hi, t_vecs[t]], hi)
            return carry

        lax.fori_loop(0, SEQ, j_body, 0)

    for b in range(NBUF):
        gather_desc(b, b).start()

    def body(outer, carry):
        for b in range(NBUF):
            g = outer * NBUF + b

            def wait_prev(g=g, b=b):
                for st in store_descs(g - NBUF, b):
                    st.wait()

            pl.when(g >= NBUF)(wait_prev)
            gather_desc(g, b).wait()
            transpose_block(b)
            gather_desc(g + NBUF, b).start()
            for st in store_descs(g, b):
                st.start()
        return carry

    lax.fori_loop(0, N_BLKS // NBUF - 1, body, 0)

    for b in range(NBUF):
        g = N_BLKS - NBUF + b
        for st in store_descs(g - NBUF, b):
            st.wait()
        gather_desc(g, b).wait()
        transpose_block(b)
        for st in store_descs(g, b):
            st.start()
    for b in range(NBUF):
        g = N_BLKS - NBUF + b
        for st in store_descs(g, b):
            st.wait()


def kernel(phoneme_ids, embedding_table):
    idx = phoneme_ids.reshape(-1).astype(jnp.int32)
    out_t = _gather_kernel(embedding_table, idx)
    return out_t.reshape(SEQ, DIM, IDS).transpose(2, 0, 1)

# --- scband reference (transcript-rebuilt; emitter-appended) ---
"""Pipeline reference for scband-multi-task-model-68281390071846 (READ-ONLY COPY).

The authoritative reference and input builder live on the scoring server;
editing this copy changes nothing except your own understanding.
"""

import jax, jax.numpy as jnp
import numpy as np

NUM_PHONEMES = 1000000
EMBEDDING_DIM = 32

def setup_inputs(seed: int = 0) -> dict:
    key = jax.random.key(seed)
    k_idx, k_emb = jax.random.split(key)
    phoneme_ids = jax.random.randint(k_idx, (16384, 50), 0, NUM_PHONEMES, dtype=jnp.int64 if jax.config.jax_enable_x64 else jnp.int32)
    # Xavier uniform init for embedding table (fan_in=NUM_PHONEMES, fan_out=EMBEDDING_DIM)
    limit = float(np.sqrt(6.0 / (NUM_PHONEMES + EMBEDDING_DIM)))
    embedding_table = jax.random.uniform(k_emb, (NUM_PHONEMES, EMBEDDING_DIM), dtype=jnp.float32, minval=-limit, maxval=limit)
    return {"phoneme_ids": phoneme_ids, "embedding_table": embedding_table}

def reference(phoneme_ids, embedding_table):
    # forward: nn.Embedding lookup -> gather rows
    return jnp.take(embedding_table, phoneme_ids, axis=0)

if __name__ == "__main__":
    import jax
    _d = setup_inputs()
    print(jax.jit(kernel)(*tuple(_d.values())))

</pallas_src>

<mosaic_0001>
#map = affine_map<(d0, d1) -> (0, 0)>
#map1 = affine_map<(d0, d1) -> (0)>
module attributes {stable_mosaic.version = 14 : i64} {
  func.func @_gather_kernel(%arg0: i32, %arg1: i32, %arg2: memref<1000000x32xf32, #tpu.memory_space<hbm>>, %arg3: memref<819200xi32, #tpu.memory_space<hbm>>, %arg4: memref<1600x16384xf32, #tpu.memory_space<hbm>>, %arg5: memref<25600xi32, #tpu.memory_space<vmem>>, %arg6: memref<800x32xf32, #tpu.memory_space<vmem>>, %arg7: memref<800x32xf32, #tpu.memory_space<vmem>>, %arg8: memref<1600x16xf32, #tpu.memory_space<vmem>>, %arg9: memref<1600x16xf32, #tpu.memory_space<vmem>>, %arg10: memref<!tpu.dma_semaphore, #tpu.memory_space<semaphore_mem>>, %arg11: memref<!tpu.dma_semaphore, #tpu.memory_space<semaphore_mem>>, %arg12: memref<!tpu.dma_semaphore, #tpu.memory_space<semaphore_mem>>, %arg13: memref<!tpu.dma_semaphore, #tpu.memory_space<semaphore_mem>>) attributes {dimension_semantics = [#tpu.dimension_semantics<core_parallel>, #tpu.dimension_semantics<subcore_parallel>], iteration_bounds = array<i64: 2, 16>, scalar_prefetch = 0 : i64, scratch_operands = 9 : i64, tpu.core_type = #tpu.core_type<sc_vector_subcore>, window_params = [{transform_indices = #map}, {transform_indices = #map1}, {transform_indices = #map}]} {
    %mul3A = arith.constant 2 : i32
    %mul3A_0 = arith.muli %arg1, %mul3A : i32
    %add3A = arith.addi %mul3A_0, %arg0 : i32
    %mul3A_1 = arith.constant 25600 : i32
    %mul3A_2 = arith.muli %add3A, %mul3A_1 : i32
    %mul3A_3 = arith.constant 512 : i32
    %mul3A_4 = arith.muli %add3A, %mul3A_3 : i32
    "tpu.region"() ({
      %run_scoped3A = tpu.sem_alloc : memref<!tpu.dma_semaphore, #tpu.memory_space<semaphore_mem>>
      %dma_start3A_139 = tpu.memref_slice %arg3[%mul3A_2] : memref<819200xi32, #tpu.memory_space<hbm>> -> memref<25600xi32, #tpu.memory_space<hbm>>
      %dma_start3A_140 = tpu.memref_slice %arg3[%mul3A_2] : memref<819200xi32, #tpu.memory_space<hbm>> -> memref<25600xi32, #tpu.memory_space<hbm>>
      tpu.enqueue_dma source(%dma_start3A_140 : memref<25600xi32, #tpu.memory_space<hbm>>) target(%arg5 : memref<25600xi32, #tpu.memory_space<vmem>>) target_semaphore(%run_scoped3A : memref<!tpu.dma_semaphore, #tpu.memory_space<semaphore_mem>>)
      %dma_wait3A_141 = tpu.memref_slice %arg3[%mul3A_2] : memref<819200xi32, #tpu.memory_space<hbm>> -> memref<25600xi32, #tpu.memory_space<hbm>>
      %dma_wait3A_142 = tpu.memref_slice %arg3[%mul3A_2] : memref<819200xi32, #tpu.memory_space<hbm>> -> memref<25600xi32, #tpu.memory_space<hbm>>
      tpu.wait_dma2 semaphore(%run_scoped3A : memref<!tpu.dma_semaphore, #tpu.memory_space<semaphore_mem>>) src(%dma_wait3A_142 : memref<25600xi32, #tpu.memory_space<hbm>>) dst(%arg5 : memref<25600xi32, #tpu.memory_space<vmem>>)
      tpu.yield
    }) : () -> ()
    %iota3A = tpu.iota {dimensions = array<i32: 0>} : vector<16xi32>
    %dma_start3A = arith.constant 0 : i32
    %dma_start3A_5 = tpu.memref_slice %arg5[%dma_start3A] : memref<25600xi32, #tpu.memory_space<vmem>> -> memref<800xi32, #tpu.memory_space<vmem>>
    %dma_start3A_6 = arith.constant 0 : i32
    %dma_start3A_7 = arith.constant 0 : i32
    %dma_start3A_8 = tpu.memref_slice %arg2[%dma_start3A_6, %dma_start3A_7] : memref<1000000x32xf32, #tpu.memory_space<hbm>> -> memref<1000000x32xf32, #tpu.memory_space<hbm>>
    tpu.enqueue_indirect_dma source(%dma_start3A_8 : memref<1000000x32xf32, #tpu.memory_space<hbm>>) target(%arg6 : memref<800x32xf32, #tpu.memory_space<vmem>>) offsets(%dma_start3A_5 : memref<800xi32, #tpu.memory_space<vmem>>) semaphore(%arg10 : memref<!tpu.dma_semaphore, #tpu.memory_space<semaphore_mem>>)
    %dma_start3A_9 = arith.constant 800 : i32
    %dma_start3A_10 = tpu.memref_slice %arg5[%dma_start3A_9] : memref<25600xi32, #tpu.memory_space<vmem>> -> memref<800xi32, #tpu.memory_space<vmem>>
    %dma_start3A_11 = arith.constant 0 : i32
    %dma_start3A_12 = arith.constant 0 : i32
    %dma_start3A_13 = tpu.memref_slice %arg2[%dma_start3A_11, %dma_start3A_12] : memref<1000000x32xf32, #tpu.memory_space<hbm>> -> memref<1000000x32xf32, #tpu.memory_space<hbm>>
    tpu.enqueue_indirect_dma source(%dma_start3A_13 : memref<1000000x32xf32, #tpu.memory_space<hbm>>) target(%arg7 : memref<800x32xf32, #tpu.memory_space<vmem>>) offsets(%dma_start3A_10 : memref<800xi32, #tpu.memory_space<vmem>>) semaphore(%arg11 : memref<!tpu.dma_semaphore, #tpu.memory_space<semaphore_mem>>)
    %scan3A = arith.constant 0 : i32
    %scan3A_14 = arith.constant 0 : i32
    %scan3A_15 = arith.constant 15 : i32
    %scan3A_16 = arith.addi %scan3A_14, %scan3A_15 : i32
    %scan3A_17 = arith.constant 1 : i32
    scf.for %scan3A_139 = %scan3A_14 to %scan3A_16 step %scan3A_17  : i32 {
      %mul3A_140 = arith.constant 2 : i32
      %mul3A_141 = arith.muli %scan3A_139, %mul3A_140 : i32
      %add3A_142 = arith.constant 0 : i32
      %add3A_143 = arith.addi %mul3A_141, %add3A_142 : i32
      %ge3A = arith.constant 2 : i32
      %ge3A_144 = arith.cmpi sge, %add3A_143, %ge3A : i32
      %convert_element_type3A = arith.extui %ge3A_144 : i1 to i32
      %cond3A = arith.constant 0 : i32
      %cond3A_145 = arith.cmpi ne, %convert_element_type3A, %cond3A : i32
      scf.if %cond3A_145 {
        %sub3A = arith.constant 2 : i32
        %sub3A_273 = arith.subi %add3A_143, %sub3A : i32
        %mul3A_274 = arith.constant 16 : i32
        %mul3A_275 = arith.muli %sub3A_273, %mul3A_274 : i32
        %add3A_276 = arith.addi %mul3A_4, %mul3A_275 : i32
        %dma_wait3A_277 = arith.constant 0 : i32
        %dma_wait3A_278 = tpu.memref_slice %arg4[%dma_wait3A_277, %add3A_276] : memref<1600x16384xf32, #tpu.memory_space<hbm>> -> memref<1600x16xf32, #tpu.memory_space<hbm>>
        %dma_wait3A_279 = arith.constant 0 : i32
        %dma_wait3A_280 = tpu.memref_slice %arg4[%dma_wait3A_279, %add3A_276] : memref<1600x16384xf32, #tpu.memory_space<hbm>> -> memref<1600x16xf32, #tpu.memory_space<hbm>>
        tpu.wait_dma2 semaphore(%arg12 : memref<!tpu.dma_semaphore, #tpu.memory_space<semaphore_mem>>) src(%arg8 : memref<1600x16xf32, #tpu.memory_space<vmem>>) dst(%dma_wait3A_280 : memref<1600x16xf32, #tpu.memory_space<hbm>>)
      } else {
      }
      %mul3A_146 = arith.constant 800 : i32
      %mul3A_147 = arith.muli %add3A_143, %mul3A_146 : i32
      %dma_wait3A_148 = tpu.memref_slice %arg5[%mul3A_147] : memref<25600xi32, #tpu.memory_space<vmem>> -> memref<800xi32, #tpu.memory_space<vmem>>
      %dma_wait3A_149 = arith.constant 0 : i32
      %dma_wait3A_150 = arith.constant 0 : i32
      %dma_wait3A_151 = tpu.memref_slice %arg2[%dma_wait3A_149, %dma_wait3A_150] : memref<1000000x32xf32, #tpu.memory_space<hbm>> -> memref<1000000x32xf32, #tpu.memory_space<hbm>>
      tpu.wait_indirect_dma semaphore(%arg10 : memref<!tpu.dma_semaphore, #tpu.memory_space<semaphore_mem>>) src(%dma_wait3A_151 : memref<1000000x32xf32, #tpu.memory_space<hbm>>) dst(%arg6 : memref<800x32xf32, #tpu.memory_space<vmem>>)
      %broadcast_in_dim3A_152 = arith.constant 0 : i32
      %broadcast_in_dim3A_153 = vector.broadcast %broadcast_in_dim3A_152 : i32 to vector<16xi32>
      %broadcast_in_dim3A_154 = arith.constant 1 : i32
      %broadcast_in_dim3A_155 = vector.broadcast %broadcast_in_dim3A_154 : i32 to vector<16xi32>
      %broadcast_in_dim3A_156 = arith.constant 2 : i32
      %broadcast_in_dim3A_157 = vector.broadcast %broadcast_in_dim3A_156 : i32 to vector<16xi32>
      %broadcast_in_dim3A_158 = arith.constant 3 : i32
      %broadcast_in_dim3A_159 = vector.broadcast %broadcast_in_dim3A_158 : i32 to vector<16xi32>
      %broadcast_in_dim3A_160 = arith.constant 4 : i32
      %broadcast_in_dim3A_161 = vector.broadcast %broadcast_in_dim3A_160 : i32 to vector<16xi32>
      %broadcast_in_dim3A_162 = arith.constant 5 : i32
      %broadcast_in_dim3A_163 = vector.broadcast %broadcast_in_dim3A_162 : i32 to vector<16xi32>
      %broadcast_in_dim3A_164 = arith.constant 6 : i32
      %broadcast_in_dim3A_165 = vector.broadcast %broadcast_in_dim3A_164 : i32 to vector<16xi32>
      %broadcast_in_dim3A_166 = arith.constant 7 : i32
      %broadcast_in_dim3A_167 = vector.broadcast %broadcast_in_dim3A_166 : i32 to vector<16xi32>
      %broadcast_in_dim3A_168 = arith.constant 8 : i32
      %broadcast_in_dim3A_169 = vector.broadcast %broadcast_in_dim3A_168 : i32 to vector<16xi32>
      %broadcast_in_dim3A_170 = arith.constant 9 : i32
      %broadcast_in_dim3A_171 = vector.broadcast %broadcast_in_dim3A_170 : i32 to vector<16xi32>
      %broadcast_in_dim3A_172 = arith.constant 10 : i32
      %broadcast_in_dim3A_173 = vector.broadcast %broadcast_in_dim3A_172 : i32 to vector<16xi32>
      %broadcast_in_dim3A_174 = arith.constant 11 : i32
      %broadcast_in_dim3A_175 = vector.broadcast %broadcast_in_dim3A_174 : i32 to vector<16xi32>
      %broadcast_in_dim3A_176 = arith.constant 12 : i32
      %broadcast_in_dim3A_177 = vector.broadcast %broadcast_in_dim3A_176 : i32 to vector<16xi32>
      %broadcast_in_dim3A_178 = arith.constant 13 : i32
      %broadcast_in_dim3A_179 = vector.broadcast %broadcast_in_dim3A_178 : i32 to vector<16xi32>
      %broadcast_in_dim3A_180 = arith.constant 14 : i32
      %broadcast_in_dim3A_181 = vector.broadcast %broadcast_in_dim3A_180 : i32 to vector<16xi32>
      %broadcast_in_dim3A_182 = arith.constant 15 : i32
      %broadcast_in_dim3A_183 = vector.broadcast %broadcast_in_dim3A_182 : i32 to vector<16xi32>
      %scan3A_184 = arith.constant 0 : i32
      %scan3A_185 = arith.constant 0 : i32
      %scan3A_186 = arith.constant 50 : i32
      %scan3A_187 = arith.addi %scan3A_185, %scan3A_186 : i32
      %scan3A_188 = arith.constant 1 : i32
      scf.for %scan3A_273 = %scan3A_185 to %scan3A_187 step %scan3A_188  : i32 {
        %mul3A_274 = arith.constant 32 : i32
        %mul3A_275 = arith.muli %scan3A_273, %mul3A_274 : i32
        %add3A_276 = vector.broadcast %mul3A_275 : i32 to vector<16xi32>
        %add3A_277 = arith.addi %iota3A, %add3A_276 : vector<16xi32>
        %add3A_278 = arith.constant 16 : i32
        %add3A_279 = vector.broadcast %add3A_278 : i32 to vector<16xi32>
        %add3A_280 = arith.addi %add3A_277, %add3A_279 : vector<16xi32>
        %add3A_281 = arith.constant 0 : i32
        %add3A_282 = arith.addi %add3A_281, %scan3A_273 : i32
        %get3A = arith.index_cast %add3A_282 : i32 to index
        %get3A_283 = arith.constant 0 : index
        %get3A_284 = tpu.vector_load %arg6[%get3A, %get3A_283] {strides = array<i32>} : memref<800x32xf32, #tpu.memory_space<vmem>>, vector<16xf32>,
        %get3A_285 = arith.index_cast %add3A_282 : i32 to index
        %get3A_286 = arith.constant 16 : index
        %get3A_287 = tpu.vector_load %arg6[%get3A_285, %get3A_286] {strides = array<i32>} : memref<800x32xf32, #tpu.memory_space<vmem>>, vector<16xf32>,
        tpu.vector_store_idx %arg8[%add3A_277, %broadcast_in_dim3A_153], %get3A_284 : memref<1600x16xf32, #tpu.memory_space<vmem>>[vector<16xi32>, vector<16xi32>], vector<16xf32>,
        tpu.vector_store_idx %arg8[%add3A_280, %broadcast_in_dim3A_153], %get3A_287 : memref<1600x16xf32, #tpu.memory_space<vmem>>[vector<16xi32>, vector<16xi32>], vector<16xf32>,
        %add3A_288 = arith.constant 50 : i32
        %add3A_289 = arith.addi %add3A_288, %scan3A_273 : i32
        %get3A_290 = arith.index_cast %add3A_289 : i32 to index
        %get3A_291 = arith.constant 0 : index
        %get3A_292 = tpu.vector_load %arg6[%get3A_290, %get3A_291] {strides = array<i32>} : memref<800x32xf32, #tpu.memory_space<vmem>>, vector<16xf32>,
        %get3A_293 = arith.index_cast %add3A_289 : i32 to index
        %get3A_294 = arith.constant 16 : index
        %get3A_295 = tpu.vector_load %arg6[%get3A_293, %get3A_294] {strides = array<i32>} : memref<800x32xf32, #tpu.memory_space<vmem>>, vector<16xf32>,
        tpu.vector_store_idx %arg8[%add3A_277, %broadcast_in_dim3A_155], %get3A_292 : memref<1600x16xf32, #tpu.memory_space<vmem>>[vector<16xi32>, vector<16xi32>], vector<16xf32>,
        tpu.vector_store_idx %arg8[%add3A_280, %broadcast_in_dim3A_155], %get3A_295 : memref<1600x16xf32, #tpu.memory_space<vmem>>[vector<16xi32>, vector<16xi32>], vector<16xf32>,
        %add3A_296 = arith.constant 100 : i32
        %add3A_297 = arith.addi %add3A_296, %scan3A_273 : i32
        %get3A_298 = arith.index_cast %add3A_297 : i32 to index
        %get3A_299 = arith.constant 0 : index
        %get3A_300 = tpu.vector_load %arg6[%get3A_298, %get3A_299] {strides = array<i32>} : memref<800x32xf32, #tpu.memory_space<vmem>>, vector<16xf32>,
        %get3A_301 = arith.index_cast %add3A_297 : i32 to index
        %get3A_302 = arith.constant 16 : index
        %get3A_303 = tpu.vector_load %arg6[%get3A_301, %get3A_302] {strides = array<i32>} : memref<800x32xf32, #tpu.memory_space<vmem>>, vector<16xf32>,
        tpu.vector_store_idx %arg8[%add3A_277, %broadcast_in_dim3A_157], %get3A_300 : memref<1600x16xf32, #tpu.memory_space<vmem>>[vector<16xi32>, vector<16xi32>], vector<16xf32>,
        tpu.vector_store_idx %arg8[%add3A_280, %broadcast_in_dim3A_157], %get3A_303 : memref<1600x16xf32, #tpu.memory_space<vmem>>[vector<16xi32>, vector<16xi32>], vector<16xf32>,
        %add3A_304 = arith.constant 150 : i32
        %add3A_305 = arith.addi %add3A_304, %scan3A_273 : i32
        %get3A_306 = arith.index_cast %add3A_305 : i32 to index
        %get3A_307 = arith.constant 0 : index
        %get3A_308 = tpu.vector_load %arg6[%get3A_306, %get3A_307] {strides = array<i32>} : memref<800x32xf32, #tpu.memory_space<vmem>>, vector<16xf32>,
        %get3A_309 = arith.index_cast %add3A_305 : i32 to index
        %get3A_310 = arith.constant 16 : index
        %get3A_311 = tpu.vector_load %arg6[%get3A_309, %get3A_310] {strides = array<i32>} : memref<800x32xf32, #tpu.memory_space<vmem>>, vector<16xf32>,
        tpu.vector_store_idx %arg8[%add3A_277, %broadcast_in_dim3A_159], %get3A_308 : memref<1600x16xf32, #tpu.memory_space<vmem>>[vector<16xi32>, vector<16xi32>], vector<16xf32>,
        tpu.vector_store_idx %arg8[%add3A_280, %broadcast_in_dim3A_159], %get3A_311 : memref<1600x16xf32, #tpu.memory_space<vmem>>[vector<16xi32>, vector<16xi32>], vector<16xf32>,
        %add3A_312 = arith.constant 200 : i32
        %add3A_313 = arith.addi %add3A_312, %scan3A_273 : i32
        %get3A_314 = arith.index_cast %add3A_313 : i32 to index
        %get3A_315 = arith.constant 0 : index
        %get3A_316 = tpu.vector_load %arg6[%get3A_314, %get3A_315] {strides = array<i32>} : memref<800x32xf32, #tpu.memory_space<vmem>>, vector<16xf32>,
        %get3A_317 = arith.index_cast %add3A_313 : i32 to index
        %get3A_318 = arith.constant 16 : index
        %get3A_319 = tpu.vector_load %arg6[%get3A_317, %get3A_318] {strides = array<i32>} : memref<800x32xf32, #tpu.memory_space<vmem>>, vector<16xf32>,
        tpu.vector_store_idx %arg8[%add3A_277, %broadcast_in_dim3A_161], %get3A_316 : memref<1600x16xf32, #tpu.memory_space<vmem>>[vector<16xi32>, vector<16xi32>], vector<16xf32>,
        tpu.vector_store_idx %arg8[%add3A_280, %broadcast_in_dim3A_161], %get3A_319 : memref<1600x16xf32, #tpu.memory_space<vmem>>[vector<16xi32>, vector<16xi32>], vector<16xf32>,
        %add3A_320 = arith.constant 250 : i32
        %add3A_321 = arith.addi %add3A_320, %scan3A_273 : i32
        %get3A_322 = arith.index_cast %add3A_321 : i32 to index
        %get3A_323 = arith.constant 0 : index
        %get3A_324 = tpu.vector_load %arg6[%get3A_322, %get3A_323] {strides = array<i32>} : memref<800x32xf32, #tpu.memory_space<vmem>>, vector<16xf32>,
        %get3A_325 = arith.index_cast %add3A_321 : i32 to index
        %get3A_326 = arith.constant 16 : index
        %get3A_327 = tpu.vector_load %arg6[%get3A_325, %get3A_326] {strides = array<i32>} : memref<800x32xf32, #tpu.memory_space<vmem>>, vector<16xf32>,
        tpu.vector_store_idx %arg8[%add3A_277, %broadcast_in_dim3A_163], %get3A_324 : memref<1600x16xf32, #tpu.memory_space<vmem>>[vector<16xi32>, vector<16xi32>], vector<16xf32>,
        tpu.vector_store_idx %arg8[%add3A_280, %broadcast_in_dim3A_163], %get3A_327 : memref<1600x16xf32, #tpu.memory_space<vmem>>[vector<16xi32>, vector<16xi32>], vector<16xf32>,
        %add3A_328 = arith.constant 300 : i32
        %add3A_329 = arith.addi %add3A_328, %scan3A_273 : i32
        %get3A_330 = arith.index_cast %add3A_329 : i32 to index
        %get3A_331 = arith.constant 0 : index
        %get3A_332 = tpu.vector_load %arg6[%get3A_330, %get3A_331] {strides = array<i32>} : memref<800x32xf32, #tpu.memory_space<vmem>>, vector<16xf32>,
        %get3A_333 = arith.index_cast %add3A_329 : i32 to index
        %get3A_334 = arith.constant 16 : index
        %get3A_335 = tpu.vector_load %arg6[%get3A_333, %get3A_334] {strides = array<i32>} : memref<800x32xf32, #tpu.memory_space<vmem>>, vector<16xf32>,
        tpu.vector_store_idx %arg8[%add3A_277, %broadcast_in_dim3A_165], %get3A_332 : memref<1600x16xf32, #tpu.memory_space<vmem>>[vector<16xi32>, vector<16xi32>], vector<16xf32>,
        tpu.vector_store_idx %arg8[%add3A_280, %broadcast_in_dim3A_165], %get3A_335 : memref<1600x16xf32, #tpu.memory_space<vmem>>[vector<16xi32>, vector<16xi32>], vector<16xf32>,
        %add3A_336 = arith.constant 350 : i32
        %add3A_337 = arith.addi %add3A_336, %scan3A_273 : i32
        %get3A_338 = arith.index_cast %add3A_337 : i32 to index
        %get3A_339 = arith.constant 0 : index
        %get3A_340 = tpu.vector_load %arg6[%get3A_338, %get3A_339] {strides = array<i32>} : memref<800x32xf32, #tpu.memory_space<vmem>>, vector<16xf32>,
        %get3A_341 = arith.index_cast %add3A_337 : i32 to index
        %get3A_342 = arith.constant 16 : index
        %get3A_343 = tpu.vector_load %arg6[%get3A_341, %get3A_342] {strides = array<i32>} : memref<800x32xf32, #tpu.memory_space<vmem>>, vector<16xf32>,
        tpu.vector_store_idx %arg8[%add3A_277, %broadcast_in_dim3A_167], %get3A_340 : memref<1600x16xf32, #tpu.memory_space<vmem>>[vector<16xi32>, vector<16xi32>], vector<16xf32>,
        tpu.vector_store_idx %arg8[%add3A_280, %broadcast_in_dim3A_167], %get3A_343 : memref<1600x16xf32, #tpu.memory_space<vmem>>[vector<16xi32>, vector<16xi32>], vector<16xf32>,
        %add3A_344 = arith.constant 400 : i32
        %add3A_345 = arith.addi %add3A_344, %scan3A_273 : i32
        %get3A_346 = arith.index_cast %add3A_345 : i32 to index
        %get3A_347 = arith.constant 0 : index
        %get3A_348 = tpu.vector_load %arg6[%get3A_346, %get3A_347] {strides = array<i32>} : memref<800x32xf32, #tpu.memory_space<vmem>>, vector<16xf32>,
        %get3A_349 = arith.index_cast %add3A_345 : i32 to index
        %get3A_350 = arith.constant 16 : index
        %get3A_351 = tpu.vector_load %arg6[%get3A_349, %get3A_350] {strides = array<i32>} : memref<800x32xf32, #tpu.memory_space<vmem>>, vector<16xf32>,
        tpu.vector_store_idx %arg8[%add3A_277, %broadcast_in_dim3A_169], %get3A_348 : memref<1600x16xf32, #tpu.memory_space<vmem>>[vector<16xi32>, vector<16xi32>], vector<16xf32>,
        tpu.vector_store_idx %arg8[%add3A_280, %broadcast_in_dim3A_169], %get3A_351 : memref<1600x16xf32, #tpu.memory_space<vmem>>[vector<16xi32>, vector<16xi32>], vector<16xf32>,
        %add3A_352 = arith.constant 450 : i32
        %add3A_353 = arith.addi %add3A_352, %scan3A_273 : i32
        %get3A_354 = arith.index_cast %add3A_353 : i32 to index
        %get3A_355 = arith.constant 0 : index
        %get3A_356 = tpu.vector_load %arg6[%get3A_354, %get3A_355] {strides = array<i32>} : memref<800x32xf32, #tpu.memory_space<vmem>>, vector<16xf32>,
        %get3A_357 = arith.index_cast %add3A_353 : i32 to index
        %get3A_358 = arith.constant 16 : index
        %get3A_359 = tpu.vector_load %arg6[%get3A_357, %get3A_358] {strides = array<i32>} : memref<800x32xf32, #tpu.memory_space<vmem>>, vector<16xf32>,
        tpu.vector_store_idx %arg8[%add3A_277, %broadcast_in_dim3A_171], %get3A_356 : memref<1600x16xf32, #tpu.memory_space<vmem>>[vector<16xi32>, vector<16xi32>], vector<16xf32>,
        tpu.vector_store_idx %arg8[%add3A_280, %broadcast_in_dim3A_171], %get3A_359 : memref<1600x16xf32, #tpu.memory_space<vmem>>[vector<16xi32>, vector<16xi32>], vector<16xf32>,
        %add3A_360 = arith.constant 500 : i32
        %add3A_361 = arith.addi %add3A_360, %scan3A_273 : i32
        %get3A_362 = arith.index_cast %add3A_361 : i32 to index
        %get3A_363 = arith.constant 0 : index
        %get3A_364 = tpu.vector_load %arg6[%get3A_362, %get3A_363] {strides = array<i32>} : memref<800x32xf32, #tpu.memory_space<vmem>>, vector<16xf32>,
        %get3A_365 = arith.index_cast %add3A_361 : i32 to index
        %get3A_366 = arith.constant 16 : index
        %get3A_367 = tpu.vector_load %arg6[%get3A_365, %get3A_366] {strides = array<i32>} : memref<800x32xf32, #tpu.memory_space<vmem>>, vector<16xf32>,
        tpu.vector_store_idx %arg8[%add3A_277, %broadcast_in_dim3A_173], %get3A_364 : memref<1600x16xf32, #tpu.memory_space<vmem>>[vector<16xi32>, vector<16xi32>], vector<16xf32>,
        tpu.vector_store_idx %arg8[%add3A_280, %broadcast_in_dim3A_173], %get3A_367 : memref<1600x16xf32, #tpu.memory_space<vmem>>[vector<16xi32>, vector<16xi32>], vector<16xf32>,
        %add3A_368 = arith.constant 550 : i32
        %add3A_369 = arith.addi %add3A_368, %scan3A_273 : i32
        %get3A_370 = arith.index_cast %add3A_369 : i32 to index
        %get3A_371 = arith.constant 0 : index
        %get3A_372 = tpu.vector_load %arg6[%get3A_370, %get3A_371] {strides = array<i32>} : memref<800x32xf32, #tpu.memory_space<vmem>>, vector<16xf32>,
        %get3A_373 = arith.index_cast %add3A_369 : i32 to index
        %get3A_374 = arith.constant 16 : index
        %get3A_375 = tpu.vector_load %arg6[%get3A_373, %get3A_374] {strides = array<i32>} : memref<800x32xf32, #tpu.memory_space<vmem>>, vector<16xf32>,
        tpu.vector_store_idx %arg8[%add3A_277, %broadcast_in_dim3A_175], %get3A_372 : memref<1600x16xf32, #tpu.memory_space<vmem>>[vector<16xi32>, vector<16xi32>], vector<16xf32>,
        tpu.vector_store_idx %arg8[%add3A_280, %broadcast_in_dim3A_175], %get3A_375 : memref<1600x16xf32, #tpu.memory_space<vmem>>[vector<16xi32>, vector<16xi32>], vector<16xf32>,
        %add3A_376 = arith.constant 600 : i32
        %add3A_377 = arith.addi %add3A_376, %scan3A_273 : i32
        %get3A_378 = arith.index_cast %add3A_377 : i32 to index
        %get3A_379 = arith.constant 0 : index
        %get3A_380 = tpu.vector_load %arg6[%get3A_378, %get3A_379] {strides = array<i32>} : memref<800x32xf32, #tpu.memory_space<vmem>>, vector<16xf32>,
        %get3A_381 = arith.index_cast %add3A_377 : i32 to index
        %get3A_382 = arith.constant 16 : index
        %get3A_383 = tpu.vector_load %arg6[%get3A_381, %get3A_382] {strides = array<i32>} : memref<800x32xf32, #tpu.memory_space<vmem>>, vector<16xf32>,
        tpu.vector_store_idx %arg8[%add3A_277, %broadcast_in_dim3A_177], %get3A_380 : memref<1600x16xf32, #tpu.memory_space<vmem>>[vector<16xi32>, vector<16xi32>], vector<16xf32>,
        tpu.vector_store_idx %arg8[%add3A_280, %broadcast_in_dim3A_177], %get3A_383 : memref<1600x16xf32, #tpu.memory_space<vmem>>[vector<16xi32>, vector<16xi32>], vector<16xf32>,
        %add3A_384 = arith.constant 650 : i32
        %add3A_385 = arith.addi %add3A_384, %scan3A_273 : i32
        %get3A_386 = arith.index_cast %add3A_385 : i32 to index
        %get3A_387 = arith.constant 0 : index
        %get3A_388 = tpu.vector_load %arg6[%get3A_386, %get3A_387] {strides = array<i32>} : memref<800x32xf32, #tpu.memory_space<vmem>>, vector<16xf32>,
        %get3A_389 = arith.index_cast %add3A_385 : i32 to index
        %get3A_390 = arith.constant 16 : index
        %get3A_391 = tpu.vector_load %arg6[%get3A_389, %get3A_390] {strides = array<i32>} : memref<800x32xf32, #tpu.memory_space<vmem>>, vector<16xf32>,
        tpu.vector_store_idx %arg8[%add3A_277, %broadcast_in_dim3A_179], %get3A_388 : memref<1600x16xf32, #tpu.memory_space<vmem>>[vector<16xi32>, vector<16xi32>], vector<16xf32>,
        tpu.vector_store_idx %arg8[%add3A_280, %broadcast_in_dim3A_179], %get3A_391 : memref<1600x16xf32, #tpu.memory_space<vmem>>[vector<16xi32>, vector<16xi32>], vector<16xf32>,
        %add3A_392 = arith.constant 700 : i32
        %add3A_393 = arith.addi %add3A_392, %scan3A_273 : i32
        %get3A_394 = arith.index_cast %add3A_393 : i32 to index
        %get3A_395 = arith.constant 0 : index
        %get3A_396 = tpu.vector_load %arg6[%get3A_394, %get3A_395] {strides = array<i32>} : memref<800x32xf32, #tpu.memory_space<vmem>>, vector<16xf32>,
        %get3A_397 = arith.index_cast %add3A_393 : i32 to index
        %get3A_398 = arith.constant 16 : index
        %get3A_399 = tpu.vector_load %arg6[%get3A_397, %get3A_398] {strides = array<i32>} : memref<800x32xf32, #tpu.memory_space<vmem>>, vector<16xf32>,
        tpu.vector_store_idx %arg8[%add3A_277, %broadcast_in_dim3A_181], %get3A_396 : memref<1600x16xf32, #tpu.memory_space<vmem>>[vector<16xi32>, vector<16xi32>], vector<16xf32>,
        tpu.vector_store_idx %arg8[%add3A_280, %broadcast_in_dim3A_181], %get3A_399 : memref<1600x16xf32, #tpu.memory_space<vmem>>[vector<16xi32>, vector<16xi32>], vector<16xf32>,
        %add3A_400 = arith.constant 750 : i32
        %add3A_401 = arith.addi %add3A_400, %scan3A_273 : i32
        %get3A_402 = arith.index_cast %add3A_401 : i32 to index
        %get3A_403 = arith.constant 0 : index
        %get3A_404 = tpu.vector_load %arg6[%get3A_402, %get3A_403] {strides = array<i32>} : memref<800x32xf32, #tpu.memory_space<vmem>>, vector<16xf32>,
        %get3A_405 = arith.index_cast %add3A_401 : i32 to index
        %get3A_406 = arith.constant 16 : index
        %get3A_407 = tpu.vector_load %arg6[%get3A_405, %get3A_406] {strides = array<i32>} : memref<800x32xf32, #tpu.memory_space<vmem>>, vector<16xf32>,
        tpu.vector_store_idx %arg8[%add3A_277, %broadcast_in_dim3A_183], %get3A_404 : memref<1600x16xf32, #tpu.memory_space<vmem>>[vector<16xi32>, vector<16xi32>], vector<16xf32>,
        tpu.vector_store_idx %arg8[%add3A_280, %broadcast_in_dim3A_183], %get3A_407 : memref<1600x16xf32, #tpu.memory_space<vmem>>[vector<16xi32>, vector<16xi32>], vector<16xf32>,
      }
      %scan3A_189 = arith.constant 50 : i32
      %add3A_190 = arith.constant 2 : i32
      %add3A_191 = arith.addi %add3A_143, %add3A_190 : i32
      %mul3A_192 = arith.constant 800 : i32
      %mul3A_193 = arith.muli %add3A_191, %mul3A_192 : i32
      %dma_start3A_194 = tpu.memref_slice %arg5[%mul3A_193] : memref<25600xi32, #tpu.memory_space<vmem>> -> memref<800xi32, #tpu.memory_space<vmem>>
      %dma_start3A_195 = arith.constant 0 : i32
      %dma_start3A_196 = arith.constant 0 : i32
      %dma_start3A_197 = tpu.memref_slice %arg2[%dma_start3A_195, %dma_start3A_196] : memref<1000000x32xf32, #tpu.memory_space<hbm>> -> memref<1000000x32xf32, #tpu.memory_space<hbm>>
      tpu.enqueue_indirect_dma source(%dma_start3A_197 : memref<1000000x32xf32, #tpu.memory_space<hbm>>) target(%arg6 : memref<800x32xf32, #tpu.memory_space<vmem>>) offsets(%dma_start3A_194 : memref<800xi32, #tpu.memory_space<vmem>>) semaphore(%arg10 : memref<!tpu.dma_semaphore, #tpu.memory_space<semaphore_mem>>)
      %mul3A_198 = arith.constant 16 : i32
      %mul3A_199 = arith.muli %add3A_143, %mul3A_198 : i32
      %add3A_200 = arith.addi %mul3A_4, %mul3A_199 : i32
      %dma_start3A_201 = arith.constant 0 : i32
      %dma_start3A_202 = tpu.memref_slice %arg4[%dma_start3A_201, %add3A_200] : memref<1600x16384xf32, #tpu.memory_space<hbm>> -> memref<1600x16xf32, #tpu.memory_space<hbm>>
      %dma_start3A_203 = arith.constant 0 : i32
      %dma_start3A_204 = tpu.memref_slice %arg4[%dma_start3A_203, %add3A_200] : memref<1600x16384xf32, #tpu.memory_space<hbm>> -> memref<1600x16xf32, #tpu.memory_space<hbm>>
      tpu.enqueue_dma source(%arg8 : memref<1600x16xf32, #tpu.memory_space<vmem>>) target(%dma_start3A_204 : memref<1600x16xf32, #tpu.memory_space<hbm>>) target_semaphore(%arg12 : memref<!tpu.dma_semaphore, #tpu.memory_space<semaphore_mem>>)
      %mul3A_205 = arith.constant 2 : i32
      %mul3A_206 = arith.muli %scan3A_139, %mul3A_205 : i32
      %add3A_207 = arith.constant 1 : i32
      %add3A_208 = arith.addi %mul3A_206, %add3A_207 : i32
      %ge3A_209 = arith.constant 2 : i32
      %ge3A_210 = arith.cmpi sge, %add3A_208, %ge3A_209 : i32
      %convert_element_type3A_211 = arith.extui %ge3A_210 : i1 to i32
      %cond3A_212 = arith.constant 0 : i32
      %cond3A_213 = arith.cmpi ne, %convert_element_type3A_211, %cond3A_212 : i32
      scf.if %cond3A_213 {
        %sub3A = arith.constant 2 : i32
        %sub3A_273 = arith.subi %add3A_208, %sub3A : i32
        %mul3A_274 = arith.constant 16 : i32
        %mul3A_275 = arith.muli %sub3A_273, %mul3A_274 : i32
        %add3A_276 = arith.addi %mul3A_4, %mul3A_275 : i32
        %dma_wait3A_277 = arith.constant 0 : i32
        %dma_wait3A_278 = tpu.memref_slice %arg4[%dma_wait3A_277, %add3A_276] : memref<1600x16384xf32, #tpu.memory_space<hbm>> -> memref<1600x16xf32, #tpu.memory_space<hbm>>
        %dma_wait3A_279 = arith.constant 0 : i32
        %dma_wait3A_280 = tpu.memref_slice %arg4[%dma_wait3A_279, %add3A_276] : memref<1600x16384xf32, #tpu.memory_space<hbm>> -> memref<1600x16xf32, #tpu.memory_space<hbm>>
        tpu.wait_dma2 semaphore(%arg13 : memref<!tpu.dma_semaphore, #tpu.memory_space<semaphore_mem>>) src(%arg9 : memref<1600x16xf32, #tpu.memory_space<vmem>>) dst(%dma_wait3A_280 : memref<1600x16xf32, #tpu.memory_space<hbm>>)
      } else {
      }
      %mul3A_214 = arith.constant 800 : i32
      %mul3A_215 = arith.muli %add3A_208, %mul3A_214 : i32
      %dma_wait3A_216 = tpu.memref_slice %arg5[%mul3A_215] : memref<25600xi32, #tpu.memory_space<vmem>> -> memref<800xi32, #tpu.memory_space<vmem>>
      %dma_wait3A_217 = arith.constant 0 : i32
      %dma_wait3A_218 = arith.constant 0 : i32
      %dma_wait3A_219 = tpu.memref_slice %arg2[%dma_wait3A_217, %dma_wait3A_218] : memref<1000000x32xf32, #tpu.memory_space<hbm>> -> memref<1000000x32xf32, #tpu.memory_space<hbm>>
      tpu.wait_indirect_dma semaphore(%arg11 : memref<!tpu.dma_semaphore, #tpu.memory_space<semaphore_mem>>) src(%dma_wait3A_219 : memref<1000000x32xf32, #tpu.memory_space<hbm>>) dst(%arg7 : memref<800x32xf32, #tpu.memory_space<vmem>>)
      %broadcast_in_dim3A_220 = arith.constant 0 : i32
      %broadcast_in_dim3A_221 = vector.broadcast %broadcast_in_dim3A_220 : i32 to vector<16xi32>
      %broadcast_in_dim3A_222 = arith.constant 1 : i32
      %broadcast_in_dim3A_223 = vector.broadcast %broadcast_in_dim3A_222 : i32 to vector<16xi32>
      %broadcast_in_dim3A_224 = arith.constant 2 : i32
      %broadcast_in_dim3A_225 = vector.broadcast %broadcast_in_dim3A_224 : i32 to vector<16xi32>
      %broadcast_in_dim3A_226 = arith.constant 3 : i32
      %broadcast_in_dim3A_227 = vector.broadcast %broadcast_in_dim3A_226 : i32 to vector<16xi32>
      %broadcast_in_dim3A_228 = arith.constant 4 : i32
      %broadcast_in_dim3A_229 = vector.broadcast %broadcast_in_dim3A_228 : i32 to vector<16xi32>
      %broadcast_in_dim3A_230 = arith.constant 5 : i32
      %broadcast_in_dim3A_231 = vector.broadcast %broadcast_in_dim3A_230 : i32 to vector<16xi32>
      %broadcast_in_dim3A_232 = arith.constant 6 : i32
      %broadcast_in_dim3A_233 = vector.broadcast %broadcast_in_dim3A_232 : i32 to vector<16xi32>
      %broadcast_in_dim3A_234 = arith.constant 7 : i32
      %broadcast_in_dim3A_235 = vector.broadcast %broadcast_in_dim3A_234 : i32 to vector<16xi32>
      %broadcast_in_dim3A_236 = arith.constant 8 : i32
      %broadcast_in_dim3A_237 = vector.broadcast %broadcast_in_dim3A_236 : i32 to vector<16xi32>
      %broadcast_in_dim3A_238 = arith.constant 9 : i32
      %broadcast_in_dim3A_239 = vector.broadcast %broadcast_in_dim3A_238 : i32 to vector<16xi32>
      %broadcast_in_dim3A_240 = arith.constant 10 : i32
      %broadcast_in_dim3A_241 = vector.broadcast %broadcast_in_dim3A_240 : i32 to vector<16xi32>
      %broadcast_in_dim3A_242 = arith.constant 11 : i32
      %broadcast_in_dim3A_243 = vector.broadcast %broadcast_in_dim3A_242 : i32 to vector<16xi32>
      %broadcast_in_dim3A_244 = arith.constant 12 : i32
      %broadcast_in_dim3A_245 = vector.broadcast %broadcast_in_dim3A_244 : i32 to vector<16xi32>
      %broadcast_in_dim3A_246 = arith.constant 13 : i32
      %broadcast_in_dim3A_247 = vector.broadcast %broadcast_in_dim3A_246 : i32 to vector<16xi32>
      %broadcast_in_dim3A_248 = arith.constant 14 : i32
      %broadcast_in_dim3A_249 = vector.broadcast %broadcast_in_dim3A_248 : i32 to vector<16xi32>
      %broadcast_in_dim3A_250 = arith.constant 15 : i32
      %broadcast_in_dim3A_251 = vector.broadcast %broadcast_in_dim3A_250 : i32 to vector<16xi32>
      %scan3A_252 = arith.constant 0 : i32
      %scan3A_253 = arith.constant 0 : i32
      %scan3A_254 = arith.constant 50 : i32
      %scan3A_255 = arith.addi %scan3A_253, %scan3A_254 : i32
      %scan3A_256 = arith.constant 1 : i32
      scf.for %scan3A_273 = %scan3A_253 to %scan3A_255 step %scan3A_256  : i32 {
        %mul3A_274 = arith.constant 32 : i32
        %mul3A_275 = arith.muli %scan3A_273, %mul3A_274 : i32
        %add3A_276 = vector.broadcast %mul3A_275 : i32 to vector<16xi32>
        %add3A_277 = arith.addi %iota3A, %add3A_276 : vector<16xi32>
        %add3A_278 = arith.constant 16 : i32
        %add3A_279 = vector.broadcast %add3A_278 : i32 to vector<16xi32>
        %add3A_280 = arith.addi %add3A_277, %add3A_279 : vector<16xi32>
        %add3A_281 = arith.constant 0 : i32
        %add3A_282 = arith.addi %add3A_281, %scan3A_273 : i32
        %get3A = arith.index_cast %add3A_282 : i32 to index
        %get3A_283 = arith.constant 0 : index
        %get3A_284 = tpu.vector_load %arg7[%get3A, %get3A_283] {strides = array<i32>} : memref<800x32xf32, #tpu.memory_space<vmem>>, vector<16xf32>,
        %get3A_285 = arith.index_cast %add3A_282 : i32 to index
        %get3A_286 = arith.constant 16 : index
        %get3A_287 = tpu.vector_load %arg7[%get3A_285, %get3A_286] {strides = array<i32>} : memref<800x32xf32, #tpu.memory_space<vmem>>, vector<16xf32>,
        tpu.vector_store_idx %arg9[%add3A_277, %broadcast_in_dim3A_221], %get3A_284 : memref<1600x16xf32, #tpu.memory_space<vmem>>[vector<16xi32>, vector<16xi32>], vector<16xf32>,
        tpu.vector_store_idx %arg9[%add3A_280, %broadcast_in_dim3A_221], %get3A_287 : memref<1600x16xf32, #tpu.memory_space<vmem>>[vector<16xi32>, vector<16xi32>], vector<16xf32>,
        %add3A_288 = arith.constant 50 : i32
        %add3A_289 = arith.addi %add3A_288, %scan3A_273 : i32
        %get3A_290 = arith.index_cast %add3A_289 : i32 to index
        %get3A_291 = arith.constant 0 : index
        %get3A_292 = tpu.vector_load %arg7[%get3A_290, %get3A_291] {strides = array<i32>} : memref<800x32xf32, #tpu.memory_space<vmem>>, vector<16xf32>,
        %get3A_293 = arith.index_cast %add3A_289 : i32 to index
        %get3A_294 = arith.constant 16 : index
        %get3A_295 = tpu.vector_load %arg7[%get3A_293, %get3A_294] {strides = array<i32>} : memref<800x32xf32, #tpu.memory_space<vmem>>, vector<16xf32>,
        tpu.vector_store_idx %arg9[%add3A_277, %broadcast_in_dim3A_223], %get3A_292 : memref<1600x16xf32, #tpu.memory_space<vmem>>[vector<16xi32>, vector<16xi32>], vector<16xf32>,
        tpu.vector_store_idx %arg9[%add3A_280, %broadcast_in_dim3A_223], %get3A_295 : memref<1600x16xf32, #tpu.memory_space<vmem>>[vector<16xi32>, vector<16xi32>], vector<16xf32>,
        %add3A_296 = arith.constant 100 : i32
        %add3A_297 = arith.addi %add3A_296, %scan3A_273 : i32
        %get3A_298 = arith.index_cast %add3A_297 : i32 to index
        %get3A_299 = arith.constant 0 : index
        %get3A_300 = tpu.vector_load %arg7[%get3A_298, %get3A_299] {strides = array<i32>} : memref<800x32xf32, #tpu.memory_space<vmem>>, vector<16xf32>,
        %get3A_301 = arith.index_cast %add3A_297 : i32 to index
        %get3A_302 = arith.constant 16 : index
        %get3A_303 = tpu.vector_load %arg7[%get3A_301, %get3A_302] {strides = array<i32>} : memref<800x32xf32, #tpu.memory_space<vmem>>, vector<16xf32>,
        tpu.vector_store_idx %arg9[%add3A_277, %broadcast_in_dim3A_225], %get3A_300 : memref<1600x16xf32, #tpu.memory_space<vmem>>[vector<16xi32>, vector<16xi32>], vector<16xf32>,
        tpu.vector_store_idx %arg9[%add3A_280, %broadcast_in_dim3A_225], %get3A_303 : memref<1600x16xf32, #tpu.memory_space<vmem>>[vector<16xi32>, vector<16xi32>], vector<16xf32>,
        %add3A_304 = arith.constant 150 : i32
        %add3A_305 = arith.addi %add3A_304, %scan3A_273 : i32
        %get3A_306 = arith.index_cast %add3A_305 : i32 to index
        %get3A_307 = arith.constant 0 : index
        %get3A_308 = tpu.vector_load %arg7[%get3A_306, %get3A_307] {strides = array<i32>} : memref<800x32xf32, #tpu.memory_space<vmem>>, vector<16xf32>,
        %get3A_309 = arith.index_cast %add3A_305 : i32 to index
        %get3A_310 = arith.constant 16 : index
        %get3A_311 = tpu.vector_load %arg7[%get3A_309, %get3A_310] {strides = array<i32>} : memref<800x32xf32, #tpu.memory_space<vmem>>, vector<16xf32>,
        tpu.vector_store_idx %arg9[%add3A_277, %broadcast_in_dim3A_227], %get3A_308 : memref<1600x16xf32, #tpu.memory_space<vmem>>[vector<16xi32>, vector<16xi32>], vector<16xf32>,
        tpu.vector_store_idx %arg9[%add3A_280, %broadcast_in_dim3A_227], %get3A_311 : memref<1600x16xf32, #tpu.memory_space<vmem>>[vector<16xi32>, vector<16xi32>], vector<16xf32>,
        %add3A_312 = arith.constant 200 : i32
        %add3A_313 = arith.addi %add3A_312, %scan3A_273 : i32
        %get3A_314 = arith.index_cast %add3A_313 : i32 to index
        %get3A_315 = arith.constant 0 : index
        %get3A_316 = tpu.vector_load %arg7[%get3A_314, %get3A_315] {strides = array<i32>} : memref<800x32xf32, #tpu.memory_space<vmem>>, vector<16xf32>,
        %get3A_317 = arith.index_cast %add3A_313 : i32 to index
        %get3A_318 = arith.constant 16 : index
        %get3A_319 = tpu.vector_load %arg7[%get3A_317, %get3A_318] {strides = array<i32>} : memref<800x32xf32, #tpu.memory_space<vmem>>, vector<16xf32>,
        tpu.vector_store_idx %arg9[%add3A_277, %broadcast_in_dim3A_229], %get3A_316 : memref<1600x16xf32, #tpu.memory_space<vmem>>[vector<16xi32>, vector<16xi32>], vector<16xf32>,
        tpu.vector_store_idx %arg9[%add3A_280, %broadcast_in_dim3A_229], %get3A_319 : memref<1600x16xf32, #tpu.memory_space<vmem>>[vector<16xi32>, vector<16xi32>], vector<16xf32>,
        %add3A_320 = arith.constant 250 : i32
        %add3A_321 = arith.addi %add3A_320, %scan3A_273 : i32
        %get3A_322 = arith.index_cast %add3A_321 : i32 to index
        %get3A_323 = arith.constant 0 : index
        %get3A_324 = tpu.vector_load %arg7[%get3A_322, %get3A_323] {strides = array<i32>} : memref<800x32xf32, #tpu.memory_space<vmem>>, vector<16xf32>,
        %get3A_325 = arith.index_cast %add3A_321 : i32 to index
        %get3A_326 = arith.constant 16 : index
        %get3A_327 = tpu.vector_load %arg7[%get3A_325, %get3A_326] {strides = array<i32>} : memref<800x32xf32, #tpu.memory_space<vmem>>, vector<16xf32>,
        tpu.vector_store_idx %arg9[%add3A_277, %broadcast_in_dim3A_231], %get3A_324 : memref<1600x16xf32, #tpu.memory_space<vmem>>[vector<16xi32>, vector<16xi32>], vector<16xf32>,
        tpu.vector_store_idx %arg9[%add3A_280, %broadcast_in_dim3A_231], %get3A_327 : memref<1600x16xf32, #tpu.memory_space<vmem>>[vector<16xi32>, vector<16xi32>], vector<16xf32>,
        %add3A_328 = arith.constant 300 : i32
        %add3A_329 = arith.addi %add3A_328, %scan3A_273 : i32
        %get3A_330 = arith.index_cast %add3A_329 : i32 to index
        %get3A_331 = arith.constant 0 : index
        %get3A_332 = tpu.vector_load %arg7[%get3A_330, %get3A_331] {strides = array<i32>} : memref<800x32xf32, #tpu.memory_space<vmem>>, vector<16xf32>,
        %get3A_333 = arith.index_cast %add3A_329 : i32 to index
        %get3A_334 = arith.constant 16 : index
        %get3A_335 = tpu.vector_load %arg7[%get3A_333, %get3A_334] {strides = array<i32>} : memref<800x32xf32, #tpu.memory_space<vmem>>, vector<16xf32>,
        tpu.vector_store_idx %arg9[%add3A_277, %broadcast_in_dim3A_233], %get3A_332 : memref<1600x16xf32, #tpu.memory_space<vmem>>[vector<16xi32>, vector<16xi32>], vector<16xf32>,
        tpu.vector_store_idx %arg9[%add3A_280, %broadcast_in_dim3A_233], %get3A_335 : memref<1600x16xf32, #tpu.memory_space<vmem>>[vector<16xi32>, vector<16xi32>], vector<16xf32>,
        %add3A_336 = arith.constant 350 : i32
        %add3A_337 = arith.addi %add3A_336, %scan3A_273 : i32
        %get3A_338 = arith.index_cast %add3A_337 : i32 to index
        %get3A_339 = arith.constant 0 : index
        %get3A_340 = tpu.vector_load %arg7[%get3A_338, %get3A_339] {strides = array<i32>} : memref<800x32xf32, #tpu.memory_space<vmem>>, vector<16xf32>,
        %get3A_341 = arith.index_cast %add3A_337 : i32 to index
        %get3A_342 = arith.constant 16 : index
        %get3A_343 = tpu.vector_load %arg7[%get3A_341, %get3A_342] {strides = array<i32>} : memref<800x32xf32, #tpu.memory_space<vmem>>, vector<16xf32>,
        tpu.vector_store_idx %arg9[%add3A_277, %broadcast_in_dim3A_235], %get3A_340 : memref<1600x16xf32, #tpu.memory_space<vmem>>[vector<16xi32>, vector<16xi32>], vector<16xf32>,
        tpu.vector_store_idx %arg9[%add3A_280, %broadcast_in_dim3A_235], %get3A_343 : memref<1600x16xf32, #tpu.memory_space<vmem>>[vector<16xi32>, vector<16xi32>], vector<16xf32>,
        %add3A_344 = arith.constant 400 : i32
        %add3A_345 = arith.addi %add3A_344, %scan3A_273 : i32
        %get3A_346 = arith.index_cast %add3A_345 : i32 to index
        %get3A_347 = arith.constant 0 : index
        %get3A_348 = tpu.vector_load %arg7[%get3A_346, %get3A_347] {strides = array<i32>} : memref<800x32xf32, #tpu.memory_space<vmem>>, vector<16xf32>,
        %get3A_349 = arith.index_cast %add3A_345 : i32 to index
        %get3A_350 = arith.constant 16 : index
        %get3A_351 = tpu.vector_load %arg7[%get3A_349, %get3A_350] {strides = array<i32>} : memref<800x32xf32, #tpu.memory_space<vmem>>, vector<16xf32>,
        tpu.vector_store_idx %arg9[%add3A_277, %broadcast_in_dim3A_237], %get3A_348 : memref<1600x16xf32, #tpu.memory_space<vmem>>[vector<16xi32>, vector<16xi32>], vector<16xf32>,
        tpu.vector_store_idx %arg9[%add3A_280, %broadcast_in_dim3A_237], %get3A_351 : memref<1600x16xf32, #tpu.memory_space<vmem>>[vector<16xi32>, vector<16xi32>], vector<16xf32>,
        %add3A_352 = arith.constant 450 : i32
        %add3A_353 = arith.addi %add3A_352, %scan3A_273 : i32
        %get3A_354 = arith.index_cast %add3A_353 : i32 to index
        %get3A_355 = arith.constant 0 : index
        %get3A_356 = tpu.vector_load %arg7[%get3A_354, %get3A_355] {strides = array<i32>} : memref<800x32xf32, #tpu.memory_space<vmem>>, vector<16xf32>,
        %get3A_357 = arith.index_cast %add3A_353 : i32 to index
        %get3A_358 = arith.constant 16 : index
        %get3A_359 = tpu.vector_load %arg7[%get3A_357, %get3A_358] {strides = array<i32>} : memref<800x32xf32, #tpu.memory_space<vmem>>, vector<16xf32>,
        tpu.vector_store_idx %arg9[%add3A_277, %broadcast_in_dim3A_239], %get3A_356 : memref<1600x16xf32, #tpu.memory_space<vmem>>[vector<16xi32>, vector<16xi32>], vector<16xf32>,
        tpu.vector_store_idx %arg9[%add3A_280, %broadcast_in_dim3A_239], %get3A_359 : memref<1600x16xf32, #tpu.memory_space<vmem>>[vector<16xi32>, vector<16xi32>], vector<16xf32>,
        %add3A_360 = arith.constant 500 : i32
        %add3A_361 = arith.addi %add3A_360, %scan3A_273 : i32
        %get3A_362 = arith.index_cast %add3A_361 : i32 to index
        %get3A_363 = arith.constant 0 : index
        %get3A_364 = tpu.vector_load %arg7[%get3A_362, %get3A_363] {strides = array<i32>} : memref<800x32xf32, #tpu.memory_space<vmem>>, vector<16xf32>,
        %get3A_365 = arith.index_cast %add3A_361 : i32 to index
        %get3A_366 = arith.constant 16 : index
        %get3A_367 = tpu.vector_load %arg7[%get3A_365, %get3A_366] {strides = array<i32>} : memref<800x32xf32, #tpu.memory_space<vmem>>, vector<16xf32>,
        tpu.vector_store_idx %arg9[%add3A_277, %broadcast_in_dim3A_241], %get3A_364 : memref<1600x16xf32, #tpu.memory_space<vmem>>[vector<16xi32>, vector<16xi32>], vector<16xf32>,
        tpu.vector_store_idx %arg9[%add3A_280, %broadcast_in_dim3A_241], %get3A_367 : memref<1600x16xf32, #tpu.memory_space<vmem>>[vector<16xi32>, vector<16xi32>], vector<16xf32>,
        %add3A_368 = arith.constant 550 : i32
        %add3A_369 = arith.addi %add3A_368, %scan3A_273 : i32
        %get3A_370 = arith.index_cast %add3A_369 : i32 to index
        %get3A_371 = arith.constant 0 : index
        %get3A_372 = tpu.vector_load %arg7[%get3A_370, %get3A_371] {strides = array<i32>} : memref<800x32xf32, #tpu.memory_space<vmem>>, vector<16xf32>,
        %get3A_373 = arith.index_cast %add3A_369 : i32 to index
        %get3A_374 = arith.constant 16 : index
        %get3A_375 = tpu.vector_load %arg7[%get3A_373, %get3A_374] {strides = array<i32>} : memref<800x32xf32, #tpu.memory_space<vmem>>, vector<16xf32>,
        tpu.vector_store_idx %arg9[%add3A_277, %broadcast_in_dim3A_243], %get3A_372 : memref<1600x16xf32, #tpu.memory_space<vmem>>[vector<16xi32>, vector<16xi32>], vector<16xf32>,
        tpu.vector_store_idx %arg9[%add3A_280, %broadcast_in_dim3A_243], %get3A_375 : memref<1600x16xf32, #tpu.memory_space<vmem>>[vector<16xi32>, vector<16xi32>], vector<16xf32>,
        %add3A_376 = arith.constant 600 : i32
        %add3A_377 = arith.addi %add3A_376, %scan3A_273 : i32
        %get3A_378 = arith.index_cast %add3A_377 : i32 to index
        %get3A_379 = arith.constant 0 : index
        %get3A_380 = tpu.vector_load %arg7[%get3A_378, %get3A_379] {strides = array<i32>} : memref<800x32xf32, #tpu.memory_space<vmem>>, vector<16xf32>,
        %get3A_381 = arith.index_cast %add3A_377 : i32 to index
        %get3A_382 = arith.constant 16 : index
        %get3A_383 = tpu.vector_load %arg7[%get3A_381, %get3A_382] {strides = array<i32>} : memref<800x32xf32, #tpu.memory_space<vmem>>, vector<16xf32>,
        tpu.vector_store_idx %arg9[%add3A_277, %broadcast_in_dim3A_245], %get3A_380 : memref<1600x16xf32, #tpu.memory_space<vmem>>[vector<16xi32>, vector<16xi32>], vector<16xf32>,
        tpu.vector_store_idx %arg9[%add3A_280, %broadcast_in_dim3A_245], %get3A_383 : memref<1600x16xf32, #tpu.memory_space<vmem>>[vector<16xi32>, vector<16xi32>], vector<16xf32>,
        %add3A_384 = arith.constant 650 : i32
        %add3A_385 = arith.addi %add3A_384, %scan3A_273 : i32
        %get3A_386 = arith.index_cast %add3A_385 : i32 to index
        %get3A_387 = arith.constant 0 : index
        %get3A_388 = tpu.vector_load %arg7[%get3A_386, %get3A_387] {strides = array<i32>} : memref<800x32xf32, #tpu.memory_space<vmem>>, vector<16xf32>,
        %get3A_389 = arith.index_cast %add3A_385 : i32 to index
        %get3A_390 = arith.constant 16 : index
        %get3A_391 = tpu.vector_load %arg7[%get3A_389, %get3A_390] {strides = array<i32>} : memref<800x32xf32, #tpu.memory_space<vmem>>, vector<16xf32>,
        tpu.vector_store_idx %arg9[%add3A_277, %broadcast_in_dim3A_247], %get3A_388 : memref<1600x16xf32, #tpu.memory_space<vmem>>[vector<16xi32>, vector<16xi32>], vector<16xf32>,
        tpu.vector_store_idx %arg9[%add3A_280, %broadcast_in_dim3A_247], %get3A_391 : memref<1600x16xf32, #tpu.memory_space<vmem>>[vector<16xi32>, vector<16xi32>], vector<16xf32>,
        %add3A_392 = arith.constant 700 : i32
        %add3A_393 = arith.addi %add3A_392, %scan3A_273 : i32
        %get3A_394 = arith.index_cast %add3A_393 : i32 to index
        %get3A_395 = arith.constant 0 : index
        %get3A_396 = tpu.vector_load %arg7[%get3A_394, %get3A_395] {strides = array<i32>} : memref<800x32xf32, #tpu.memory_space<vmem>>, vector<16xf32>,
        %get3A_397 = arith.index_cast %add3A_393 : i32 to index
        %get3A_398 = arith.constant 16 : index
        %get3A_399 = tpu.vector_load %arg7[%get3A_397, %get3A_398] {strides = array<i32>} : memref<800x32xf32, #tpu.memory_space<vmem>>, vector<16xf32>,
        tpu.vector_store_idx %arg9[%add3A_277, %broadcast_in_dim3A_249], %get3A_396 : memref<1600x16xf32, #tpu.memory_space<vmem>>[vector<16xi32>, vector<16xi32>], vector<16xf32>,
        tpu.vector_store_idx %arg9[%add3A_280, %broadcast_in_dim3A_249], %get3A_399 : memref<1600x16xf32, #tpu.memory_space<vmem>>[vector<16xi32>, vector<16xi32>], vector<16xf32>,
        %add3A_400 = arith.constant 750 : i32
        %add3A_401 = arith.addi %add3A_400, %scan3A_273 : i32
        %get3A_402 = arith.index_cast %add3A_401 : i32 to index
        %get3A_403 = arith.constant 0 : index
        %get3A_404 = tpu.vector_load %arg7[%get3A_402, %get3A_403] {strides = array<i32>} : memref<800x32xf32, #tpu.memory_space<vmem>>, vector<16xf32>,
        %get3A_405 = arith.index_cast %add3A_401 : i32 to index
        %get3A_406 = arith.constant 16 : index
        %get3A_407 = tpu.vector_load %arg7[%get3A_405, %get3A_406] {strides = array<i32>} : memref<800x32xf32, #tpu.memory_space<vmem>>, vector<16xf32>,
        tpu.vector_store_idx %arg9[%add3A_277, %broadcast_in_dim3A_251], %get3A_404 : memref<1600x16xf32, #tpu.memory_space<vmem>>[vector<16xi32>, vector<16xi32>], vector<16xf32>,
        tpu.vector_store_idx %arg9[%add3A_280, %broadcast_in_dim3A_251], %get3A_407 : memref<1600x16xf32, #tpu.memory_space<vmem>>[vector<16xi32>, vector<16xi32>], vector<16xf32>,
      }
      %scan3A_257 = arith.constant 50 : i32
      %add3A_258 = arith.constant 2 : i32
      %add3A_259 = arith.addi %add3A_208, %add3A_258 : i32
      %mul3A_260 = arith.constant 800 : i32
      %mul3A_261 = arith.muli %add3A_259, %mul3A_260 : i32
      %dma_start3A_262 = tpu.memref_slice %arg5[%mul3A_261] : memref<25600xi32, #tpu.memory_space<vmem>> -> memref<800xi32, #tpu.memory_space<vmem>>
      %dma_start3A_263 = arith.constant 0 : i32
      %dma_start3A_264 = arith.constant 0 : i32
      %dma_start3A_265 = tpu.memref_slice %arg2[%dma_start3A_263, %dma_start3A_264] : memref<1000000x32xf32, #tpu.memory_space<hbm>> -> memref<1000000x32xf32, #tpu.memory_space<hbm>>
      tpu.enqueue_indirect_dma source(%dma_start3A_265 : memref<1000000x32xf32, #tpu.memory_space<hbm>>) target(%arg7 : memref<800x32xf32, #tpu.memory_space<vmem>>) offsets(%dma_start3A_262 : memref<800xi32, #tpu.memory_space<vmem>>) semaphore(%arg11 : memref<!tpu.dma_semaphore, #tpu.memory_space<semaphore_mem>>)
      %mul3A_266 = arith.constant 16 : i32
      %mul3A_267 = arith.muli %add3A_208, %mul3A_266 : i32
      %add3A_268 = arith.addi %mul3A_4, %mul3A_267 : i32
      %dma_start3A_269 = arith.constant 0 : i32
      %dma_start3A_270 = tpu.memref_slice %arg4[%dma_start3A_269, %add3A_268] : memref<1600x16384xf32, #tpu.memory_space<hbm>> -> memref<1600x16xf32, #tpu.memory_space<hbm>>
      %dma_start3A_271 = arith.constant 0 : i32
      %dma_start3A_272 = tpu.memref_slice %arg4[%dma_start3A_271, %add3A_268] : memref<1600x16384xf32, #tpu.memory_space<hbm>> -> memref<1600x16xf32, #tpu.memory_space<hbm>>
      tpu.enqueue_dma source(%arg9 : memref<1600x16xf32, #tpu.memory_space<vmem>>) target(%dma_start3A_272 : memref<1600x16xf32, #tpu.memory_space<hbm>>) target_semaphore(%arg13 : memref<!tpu.dma_semaphore, #tpu.memory_space<semaphore_mem>>)
    }
    %scan3A_18 = arith.constant 15 : i32
    %add3A_19 = arith.constant 448 : i32
    %add3A_20 = arith.addi %mul3A_4, %add3A_19 : i32
    %dma_wait3A = arith.constant 0 : i32
    %dma_wait3A_21 = tpu.memref_slice %arg4[%dma_wait3A, %add3A_20] : memref<1600x16384xf32, #tpu.memory_space<hbm>> -> memref<1600x16xf32, #tpu.memory_space<hbm>>
    %dma_wait3A_22 = arith.constant 0 : i32
    %dma_wait3A_23 = tpu.memref_slice %arg4[%dma_wait3A_22, %add3A_20] : memref<1600x16384xf32, #tpu.memory_space<hbm>> -> memref<1600x16xf32, #tpu.memory_space<hbm>>
    tpu.wait_dma2 semaphore(%arg12 : memref<!tpu.dma_semaphore, #tpu.memory_space<semaphore_mem>>) src(%arg8 : memref<1600x16xf32, #tpu.memory_space<vmem>>) dst(%dma_wait3A_23 : memref<1600x16xf32, #tpu.memory_space<hbm>>)
    %dma_wait3A_24 = arith.constant 24000 : i32
    %dma_wait3A_25 = tpu.memref_slice %arg5[%dma_wait3A_24] : memref<25600xi32, #tpu.memory_space<vmem>> -> memref<800xi32, #tpu.memory_space<vmem>>
    %dma_wait3A_26 = arith.constant 0 : i32
    %dma_wait3A_27 = arith.constant 0 : i32
    %dma_wait3A_28 = tpu.memref_slice %arg2[%dma_wait3A_26, %dma_wait3A_27] : memref<1000000x32xf32, #tpu.memory_space<hbm>> -> memref<1000000x32xf32, #tpu.memory_space<hbm>>
    tpu.wait_indirect_dma semaphore(%arg10 : memref<!tpu.dma_semaphore, #tpu.memory_space<semaphore_mem>>) src(%dma_wait3A_28 : memref<1000000x32xf32, #tpu.memory_space<hbm>>) dst(%arg6 : memref<800x32xf32, #tpu.memory_space<vmem>>)
    %broadcast_in_dim3A = arith.constant 0 : i32
    %broadcast_in_dim3A_29 = vector.broadcast %broadcast_in_dim3A : i32 to vector<16xi32>
    %broadcast_in_dim3A_30 = arith.constant 1 : i32
    %broadcast_in_dim3A_31 = vector.broadcast %broadcast_in_dim3A_30 : i32 to vector<16xi32>
    %broadcast_in_dim3A_32 = arith.constant 2 : i32
    %broadcast_in_dim3A_33 = vector.broadcast %broadcast_in_dim3A_32 : i32 to vector<16xi32>
    %broadcast_in_dim3A_34 = arith.constant 3 : i32
    %broadcast_in_dim3A_35 = vector.broadcast %broadcast_in_dim3A_34 : i32 to vector<16xi32>
    %broadcast_in_dim3A_36 = arith.constant 4 : i32
    %broadcast_in_dim3A_37 = vector.broadcast %broadcast_in_dim3A_36 : i32 to vector<16xi32>
    %broadcast_in_dim3A_38 = arith.constant 5 : i32
    %broadcast_in_dim3A_39 = vector.broadcast %broadcast_in_dim3A_38 : i32 to vector<16xi32>
    %broadcast_in_dim3A_40 = arith.constant 6 : i32
    %broadcast_in_dim3A_41 = vector.broadcast %broadcast_in_dim3A_40 : i32 to vector<16xi32>
    %broadcast_in_dim3A_42 = arith.constant 7 : i32
    %broadcast_in_dim3A_43 = vector.broadcast %broadcast_in_dim3A_42 : i32 to vector<16xi32>
    %broadcast_in_dim3A_44 = arith.constant 8 : i32
    %broadcast_in_dim3A_45 = vector.broadcast %broadcast_in_dim3A_44 : i32 to vector<16xi32>
    %broadcast_in_dim3A_46 = arith.constant 9 : i32
    %broadcast_in_dim3A_47 = vector.broadcast %broadcast_in_dim3A_46 : i32 to vector<16xi32>
    %broadcast_in_dim3A_48 = arith.constant 10 : i32
    %broadcast_in_dim3A_49 = vector.broadcast %broadcast_in_dim3A_48 : i32 to vector<16xi32>
    %broadcast_in_dim3A_50 = arith.constant 11 : i32
    %broadcast_in_dim3A_51 = vector.broadcast %broadcast_in_dim3A_50 : i32 to vector<16xi32>
    %broadcast_in_dim3A_52 = arith.constant 12 : i32
    %broadcast_in_dim3A_53 = vector.broadcast %broadcast_in_dim3A_52 : i32 to vector<16xi32>
    %broadcast_in_dim3A_54 = arith.constant 13 : i32
    %broadcast_in_dim3A_55 = vector.broadcast %broadcast_in_dim3A_54 : i32 to vector<16xi32>
    %broadcast_in_dim3A_56 = arith.constant 14 : i32
    %broadcast_in_dim3A_57 = vector.broadcast %broadcast_in_dim3A_56 : i32 to vector<16xi32>
    %broadcast_in_dim3A_58 = arith.constant 15 : i32
    %broadcast_in_dim3A_59 = vector.broadcast %broadcast_in_dim3A_58 : i32 to vector<16xi32>
    %scan3A_60 = arith.constant 0 : i32
    %scan3A_61 = arith.constant 0 : i32
    %scan3A_62 = arith.constant 50 : i32
    %scan3A_63 = arith.addi %scan3A_61, %scan3A_62 : i32
    %scan3A_64 = arith.constant 1 : i32
    scf.for %scan3A_139 = %scan3A_61 to %scan3A_63 step %scan3A_64  : i32 {
      %mul3A_140 = arith.constant 32 : i32
      %mul3A_141 = arith.muli %scan3A_139, %mul3A_140 : i32
      %add3A_142 = vector.broadcast %mul3A_141 : i32 to vector<16xi32>
      %add3A_143 = arith.addi %iota3A, %add3A_142 : vector<16xi32>
      %add3A_144 = arith.constant 16 : i32
      %add3A_145 = vector.broadcast %add3A_144 : i32 to vector<16xi32>
      %add3A_146 = arith.addi %add3A_143, %add3A_145 : vector<16xi32>
      %add3A_147 = arith.constant 0 : i32
      %add3A_148 = arith.addi %add3A_147, %scan3A_139 : i32
      %get3A = arith.index_cast %add3A_148 : i32 to index
      %get3A_149 = arith.constant 0 : index
      %get3A_150 = tpu.vector_load %arg6[%get3A, %get3A_149] {strides = array<i32>} : memref<800x32xf32, #tpu.memory_space<vmem>>, vector<16xf32>,
      %get3A_151 = arith.index_cast %add3A_148 : i32 to index
      %get3A_152 = arith.constant 16 : index
      %get3A_153 = tpu.vector_load %arg6[%get3A_151, %get3A_152] {strides = array<i32>} : memref<800x32xf32, #tpu.memory_space<vmem>>, vector<16xf32>,
      tpu.vector_store_idx %arg8[%add3A_143, %broadcast_in_dim3A_29], %get3A_150 : memref<1600x16xf32, #tpu.memory_space<vmem>>[vector<16xi32>, vector<16xi32>], vector<16xf32>,
      tpu.vector_store_idx %arg8[%add3A_146, %broadcast_in_dim3A_29], %get3A_153 : memref<1600x16xf32, #tpu.memory_space<vmem>>[vector<16xi32>, vector<16xi32>], vector<16xf32>,
      %add3A_154 = arith.constant 50 : i32
      %add3A_155 = arith.addi %add3A_154, %scan3A_139 : i32
      %get3A_156 = arith.index_cast %add3A_155 : i32 to index
      %get3A_157 = arith.constant 0 : index
      %get3A_158 = tpu.vector_load %arg6[%get3A_156, %get3A_157] {strides = array<i32>} : memref<800x32xf32, #tpu.memory_space<vmem>>, vector<16xf32>,
      %get3A_159 = arith.index_cast %add3A_155 : i32 to index
      %get3A_160 = arith.constant 16 : index
      %get3A_161 = tpu.vector_load %arg6[%get3A_159, %get3A_160] {strides = array<i32>} : memref<800x32xf32, #tpu.memory_space<vmem>>, vector<16xf32>,
      tpu.vector_store_idx %arg8[%add3A_143, %broadcast_in_dim3A_31], %get3A_158 : memref<1600x16xf32, #tpu.memory_space<vmem>>[vector<16xi32>, vector<16xi32>], vector<16xf32>,
      tpu.vector_store_idx %arg8[%add3A_146, %broadcast_in_dim3A_31], %get3A_161 : memref<1600x16xf32, #tpu.memory_space<vmem>>[vector<16xi32>, vector<16xi32>], vector<16xf32>,
      %add3A_162 = arith.constant 100 : i32
      %add3A_163 = arith.addi %add3A_162, %scan3A_139 : i32
      %get3A_164 = arith.index_cast %add3A_163 : i32 to index
      %get3A_165 = arith.constant 0 : index
      %get3A_166 = tpu.vector_load %arg6[%get3A_164, %get3A_165] {strides = array<i32>} : memref<800x32xf32, #tpu.memory_space<vmem>>, vector<16xf32>,
      %get3A_167 = arith.index_cast %add3A_163 : i32 to index
      %get3A_168 = arith.constant 16 : index
      %get3A_169 = tpu.vector_load %arg6[%get3A_167, %get3A_168] {strides = array<i32>} : memref<800x32xf32, #tpu.memory_space<vmem>>, vector<16xf32>,
      tpu.vector_store_idx %arg8[%add3A_143, %broadcast_in_dim3A_33], %get3A_166 : memref<1600x16xf32, #tpu.memory_space<vmem>>[vector<16xi32>, vector<16xi32>], vector<16xf32>,
      tpu.vector_store_idx %arg8[%add3A_146, %broadcast_in_dim3A_33], %get3A_169 : memref<1600x16xf32, #tpu.memory_space<vmem>>[vector<16xi32>, vector<16xi32>], vector<16xf32>,
      %add3A_170 = arith.constant 150 : i32
      %add3A_171 = arith.addi %add3A_170, %scan3A_139 : i32
      %get3A_172 = arith.index_cast %add3A_171 : i32 to index
      %get3A_173 = arith.constant 0 : index
      %get3A_174 = tpu.vector_load %arg6[%get3A_172, %get3A_173] {strides = array<i32>} : memref<800x32xf32, #tpu.memory_space<vmem>>, vector<16xf32>,
      %get3A_175 = arith.index_cast %add3A_171 : i32 to index
      %get3A_176 = arith.constant 16 : index
      %get3A_177 = tpu.vector_load %arg6[%get3A_175, %get3A_176] {strides = array<i32>} : memref<800x32xf32, #tpu.memory_space<vmem>>, vector<16xf32>,
      tpu.vector_store_idx %arg8[%add3A_143, %broadcast_in_dim3A_35], %get3A_174 : memref<1600x16xf32, #tpu.memory_space<vmem>>[vector<16xi32>, vector<16xi32>], vector<16xf32>,
      tpu.vector_store_idx %arg8[%add3A_146, %broadcast_in_dim3A_35], %get3A_177 : memref<1600x16xf32, #tpu.memory_space<vmem>>[vector<16xi32>, vector<16xi32>], vector<16xf32>,
      %add3A_178 = arith.constant 200 : i32
      %add3A_179 = arith.addi %add3A_178, %scan3A_139 : i32
      %get3A_180 = arith.index_cast %add3A_179 : i32 to index
      %get3A_181 = arith.constant 0 : index
      %get3A_182 = tpu.vector_load %arg6[%get3A_180, %get3A_181] {strides = array<i32>} : memref<800x32xf32, #tpu.memory_space<vmem>>, vector<16xf32>,
      %get3A_183 = arith.index_cast %add3A_179 : i32 to index
      %get3A_184 = arith.constant 16 : index
      %get3A_185 = tpu.vector_load %arg6[%get3A_183, %get3A_184] {strides = array<i32>} : memref<800x32xf32, #tpu.memory_space<vmem>>, vector<16xf32>,
      tpu.vector_store_idx %arg8[%add3A_143, %broadcast_in_dim3A_37], %get3A_182 : memref<1600x16xf32, #tpu.memory_space<vmem>>[vector<16xi32>, vector<16xi32>], vector<16xf32>,
      tpu.vector_store_idx %arg8[%add3A_146, %broadcast_in_dim3A_37], %get3A_185 : memref<1600x16xf32, #tpu.memory_space<vmem>>[vector<16xi32>, vector<16xi32>], vector<16xf32>,
      %add3A_186 = arith.constant 250 : i32
      %add3A_187 = arith.addi %add3A_186, %scan3A_139 : i32
      %get3A_188 = arith.index_cast %add3A_187 : i32 to index
      %get3A_189 = arith.constant 0 : index
      %get3A_190 = tpu.vector_load %arg6[%get3A_188, %get3A_189] {strides = array<i32>} : memref<800x32xf32, #tpu.memory_space<vmem>>, vector<16xf32>,
      %get3A_191 = arith.index_cast %add3A_187 : i32 to index
      %get3A_192 = arith.constant 16 : index
      %get3A_193 = tpu.vector_load %arg6[%get3A_191, %get3A_192] {strides = array<i32>} : memref<800x32xf32, #tpu.memory_space<vmem>>, vector<16xf32>,
      tpu.vector_store_idx %arg8[%add3A_143, %broadcast_in_dim3A_39], %get3A_190 : memref<1600x16xf32, #tpu.memory_space<vmem>>[vector<16xi32>, vector<16xi32>], vector<16xf32>,
      tpu.vector_store_idx %arg8[%add3A_146, %broadcast_in_dim3A_39], %get3A_193 : memref<1600x16xf32, #tpu.memory_space<vmem>>[vector<16xi32>, vector<16xi32>], vector<16xf32>,
      %add3A_194 = arith.constant 300 : i32
      %add3A_195 = arith.addi %add3A_194, %scan3A_139 : i32
      %get3A_196 = arith.index_cast %add3A_195 : i32 to index
      %get3A_197 = arith.constant 0 : index
      %get3A_198 = tpu.vector_load %arg6[%get3A_196, %get3A_197] {strides = array<i32>} : memref<800x32xf32, #tpu.memory_space<vmem>>, vector<16xf32>,
      %get3A_199 = arith.index_cast %add3A_195 : i32 to index
      %get3A_200 = arith.constant 16 : index
      %get3A_201 = tpu.vector_load %arg6[%get3A_199, %get3A_200] {strides = array<i32>} : memref<800x32xf32, #tpu.memory_space<vmem>>, vector<16xf32>,
      tpu.vector_store_idx %arg8[%add3A_143, %broadcast_in_dim3A_41], %get3A_198 : memref<1600x16xf32, #tpu.memory_space<vmem>>[vector<16xi32>, vector<16xi32>], vector<16xf32>,
      tpu.vector_store_idx %arg8[%add3A_146, %broadcast_in_dim3A_41], %get3A_201 : memref<1600x16xf32, #tpu.memory_space<vmem>>[vector<16xi32>, vector<16xi32>], vector<16xf32>,
      %add3A_202 = arith.constant 350 : i32
      %add3A_203 = arith.addi %add3A_202, %scan3A_139 : i32
      %get3A_204 = arith.index_cast %add3A_203 : i32 to index
      %get3A_205 = arith.constant 0 : index
      %get3A_206 = tpu.vector_load %arg6[%get3A_204, %get3A_205] {strides = array<i32>} : memref<800x32xf32, #tpu.memory_space<vmem>>, vector<16xf32>,
      %get3A_207 = arith.index_cast %add3A_203 : i32 to index
      %get3A_208 = arith.constant 16 : index
      %get3A_209 = tpu.vector_load %arg6[%get3A_207, %get3A_208] {strides = array<i32>} : memref<800x32xf32, #tpu.memory_space<vmem>>, vector<16xf32>,
      tpu.vector_store_idx %arg8[%add3A_143, %broadcast_in_dim3A_43], %get3A_206 : memref<1600x16xf32, #tpu.memory_space<vmem>>[vector<16xi32>, vector<16xi32>], vector<16xf32>,
      tpu.vector_store_idx %arg8[%add3A_146, %broadcast_in_dim3A_43], %get3A_209 : memref<1600x16xf32, #tpu.memory_space<vmem>>[vector<16xi32>, vector<16xi32>], vector<16xf32>,
      %add3A_210 = arith.constant 400 : i32
      %add3A_211 = arith.addi %add3A_210, %scan3A_139 : i32
      %get3A_212 = arith.index_cast %add3A_211 : i32 to index
      %get3A_213 = arith.constant 0 : index
      %get3A_214 = tpu.vector_load %arg6[%get3A_212, %get3A_213] {strides = array<i32>} : memref<800x32xf32, #tpu.memory_space<vmem>>, vector<16xf32>,
      %get3A_215 = arith.index_cast %add3A_211 : i32 to index
      %get3A_216 = arith.constant 16 : index
      %get3A_217 = tpu.vector_load %arg6[%get3A_215, %get3A_216] {strides = array<i32>} : memref<800x32xf32, #tpu.memory_space<vmem>>, vector<16xf32>,
      tpu.vector_store_idx %arg8[%add3A_143, %broadcast_in_dim3A_45], %get3A_214 : memref<1600x16xf32, #tpu.memory_space<vmem>>[vector<16xi32>, vector<16xi32>], vector<16xf32>,
      tpu.vector_store_idx %arg8[%add3A_146, %broadcast_in_dim3A_45], %get3A_217 : memref<1600x16xf32, #tpu.memory_space<vmem>>[vector<16xi32>, vector<16xi32>], vector<16xf32>,
      %add3A_218 = arith.constant 450 : i32
      %add3A_219 = arith.addi %add3A_218, %scan3A_139 : i32
      %get3A_220 = arith.index_cast %add3A_219 : i32 to index
      %get3A_221 = arith.constant 0 : index
      %get3A_222 = tpu.vector_load %arg6[%get3A_220, %get3A_221] {strides = array<i32>} : memref<800x32xf32, #tpu.memory_space<vmem>>, vector<16xf32>,
      %get3A_223 = arith.index_cast %add3A_219 : i32 to index
      %get3A_224 = arith.constant 16 : index
      %get3A_225 = tpu.vector_load %arg6[%get3A_223, %get3A_224] {strides = array<i32>} : memref<800x32xf32, #tpu.memory_space<vmem>>, vector<16xf32>,
      tpu.vector_store_idx %arg8[%add3A_143, %broadcast_in_dim3A_47], %get3A_222 : memref<1600x16xf32, #tpu.memory_space<vmem>>[vector<16xi32>, vector<16xi32>], vector<16xf32>,
      tpu.vector_store_idx %arg8[%add3A_146, %broadcast_in_dim3A_47], %get3A_225 : memref<1600x16xf32, #tpu.memory_space<vmem>>[vector<16xi32>, vector<16xi32>], vector<16xf32>,
      %add3A_226 = arith.constant 500 : i32
      %add3A_227 = arith.addi %add3A_226, %scan3A_139 : i32
      %get3A_228 = arith.index_cast %add3A_227 : i32 to index
      %get3A_229 = arith.constant 0 : index
      %get3A_230 = tpu.vector_load %arg6[%get3A_228, %get3A_229] {strides = array<i32>} : memref<800x32xf32, #tpu.memory_space<vmem>>, vector<16xf32>,
      %get3A_231 = arith.index_cast %add3A_227 : i32 to index
      %get3A_232 = arith.constant 16 : index
      %get3A_233 = tpu.vector_load %arg6[%get3A_231, %get3A_232] {strides = array<i32>} : memref<800x32xf32, #tpu.memory_space<vmem>>, vector<16xf32>,
      tpu.vector_store_idx %arg8[%add3A_143, %broadcast_in_dim3A_49], %get3A_230 : memref<1600x16xf32, #tpu.memory_space<vmem>>[vector<16xi32>, vector<16xi32>], vector<16xf32>,
      tpu.vector_store_idx %arg8[%add3A_146, %broadcast_in_dim3A_49], %get3A_233 : memref<1600x16xf32, #tpu.memory_space<vmem>>[vector<16xi32>, vector<16xi32>], vector<16xf32>,
      %add3A_234 = arith.constant 550 : i32
      %add3A_235 = arith.addi %add3A_234, %scan3A_139 : i32
      %get3A_236 = arith.index_cast %add3A_235 : i32 to index
      %get3A_237 = arith.constant 0 : index
      %get3A_238 = tpu.vector_load %arg6[%get3A_236, %get3A_237] {strides = array<i32>} : memref<800x32xf32, #tpu.memory_space<vmem>>, vector<16xf32>,
      %get3A_239 = arith.index_cast %add3A_235 : i32 to index
      %get3A_240 = arith.constant 16 : index
      %get3A_241 = tpu.vector_load %arg6[%get3A_239, %get3A_240] {strides = array<i32>} : memref<800x32xf32, #tpu.memory_space<vmem>>, vector<16xf32>,
      tpu.vector_store_idx %arg8[%add3A_143, %broadcast_in_dim3A_51], %get3A_238 : memref<1600x16xf32, #tpu.memory_space<vmem>>[vector<16xi32>, vector<16xi32>], vector<16xf32>,
      tpu.vector_store_idx %arg8[%add3A_146, %broadcast_in_dim3A_51], %get3A_241 : memref<1600x16xf32, #tpu.memory_space<vmem>>[vector<16xi32>, vector<16xi32>], vector<16xf32>,
      %add3A_242 = arith.constant 600 : i32
      %add3A_243 = arith.addi %add3A_242, %scan3A_139 : i32
      %get3A_244 = arith.index_cast %add3A_243 : i32 to index
      %get3A_245 = arith.constant 0 : index
      %get3A_246 = tpu.vector_load %arg6[%get3A_244, %get3A_245] {strides = array<i32>} : memref<800x32xf32, #tpu.memory_space<vmem>>, vector<16xf32>,
      %get3A_247 = arith.index_cast %add3A_243 : i32 to index
      %get3A_248 = arith.constant 16 : index
      %get3A_249 = tpu.vector_load %arg6[%get3A_247, %get3A_248] {strides = array<i32>} : memref<800x32xf32, #tpu.memory_space<vmem>>, vector<16xf32>,
      tpu.vector_store_idx %arg8[%add3A_143, %broadcast_in_dim3A_53], %get3A_246 : memref<1600x16xf32, #tpu.memory_space<vmem>>[vector<16xi32>, vector<16xi32>], vector<16xf32>,
      tpu.vector_store_idx %arg8[%add3A_146, %broadcast_in_dim3A_53], %get3A_249 : memref<1600x16xf32, #tpu.memory_space<vmem>>[vector<16xi32>, vector<16xi32>], vector<16xf32>,
      %add3A_250 = arith.constant 650 : i32
      %add3A_251 = arith.addi %add3A_250, %scan3A_139 : i32
      %get3A_252 = arith.index_cast %add3A_251 : i32 to index
      %get3A_253 = arith.constant 0 : index
      %get3A_254 = tpu.vector_load %arg6[%get3A_252, %get3A_253] {strides = array<i32>} : memref<800x32xf32, #tpu.memory_space<vmem>>, vector<16xf32>,
      %get3A_255 = arith.index_cast %add3A_251 : i32 to index
      %get3A_256 = arith.constant 16 : index
      %get3A_257 = tpu.vector_load %arg6[%get3A_255, %get3A_256] {strides = array<i32>} : memref<800x32xf32, #tpu.memory_space<vmem>>, vector<16xf32>,
      tpu.vector_store_idx %arg8[%add3A_143, %broadcast_in_dim3A_55], %get3A_254 : memref<1600x16xf32, #tpu.memory_space<vmem>>[vector<16xi32>, vector<16xi32>], vector<16xf32>,
      tpu.vector_store_idx %arg8[%add3A_146, %broadcast_in_dim3A_55], %get3A_257 : memref<1600x16xf32, #tpu.memory_space<vmem>>[vector<16xi32>, vector<16xi32>], vector<16xf32>,
      %add3A_258 = arith.constant 700 : i32
      %add3A_259 = arith.addi %add3A_258, %scan3A_139 : i32
      %get3A_260 = arith.index_cast %add3A_259 : i32 to index
      %get3A_261 = arith.constant 0 : index
      %get3A_262 = tpu.vector_load %arg6[%get3A_260, %get3A_261] {strides = array<i32>} : memref<800x32xf32, #tpu.memory_space<vmem>>, vector<16xf32>,
      %get3A_263 = arith.index_cast %add3A_259 : i32 to index
      %get3A_264 = arith.constant 16 : index
      %get3A_265 = tpu.vector_load %arg6[%get3A_263, %get3A_264] {strides = array<i32>} : memref<800x32xf32, #tpu.memory_space<vmem>>, vector<16xf32>,
      tpu.vector_store_idx %arg8[%add3A_143, %broadcast_in_dim3A_57], %get3A_262 : memref<1600x16xf32, #tpu.memory_space<vmem>>[vector<16xi32>, vector<16xi32>], vector<16xf32>,
      tpu.vector_store_idx %arg8[%add3A_146, %broadcast_in_dim3A_57], %get3A_265 : memref<1600x16xf32, #tpu.memory_space<vmem>>[vector<16xi32>, vector<16xi32>], vector<16xf32>,
      %add3A_266 = arith.constant 750 : i32
      %add3A_267 = arith.addi %add3A_266, %scan3A_139 : i32
      %get3A_268 = arith.index_cast %add3A_267 : i32 to index
      %get3A_269 = arith.constant 0 : index
      %get3A_270 = tpu.vector_load %arg6[%get3A_268, %get3A_269] {strides = array<i32>} : memref<800x32xf32, #tpu.memory_space<vmem>>, vector<16xf32>,
      %get3A_271 = arith.index_cast %add3A_267 : i32 to index
      %get3A_272 = arith.constant 16 : index
      %get3A_273 = tpu.vector_load %arg6[%get3A_271, %get3A_272] {strides = array<i32>} : memref<800x32xf32, #tpu.memory_space<vmem>>, vector<16xf32>,
      tpu.vector_store_idx %arg8[%add3A_143, %broadcast_in_dim3A_59], %get3A_270 : memref<1600x16xf32, #tpu.memory_space<vmem>>[vector<16xi32>, vector<16xi32>], vector<16xf32>,
      tpu.vector_store_idx %arg8[%add3A_146, %broadcast_in_dim3A_59], %get3A_273 : memref<1600x16xf32, #tpu.memory_space<vmem>>[vector<16xi32>, vector<16xi32>], vector<16xf32>,
    }
    %scan3A_65 = arith.constant 50 : i32
    %add3A_66 = arith.constant 480 : i32
    %add3A_67 = arith.addi %mul3A_4, %add3A_66 : i32
    %dma_start3A_68 = arith.constant 0 : i32
    %dma_start3A_69 = tpu.memref_slice %arg4[%dma_start3A_68, %add3A_67] : memref<1600x16384xf32, #tpu.memory_space<hbm>> -> memref<1600x16xf32, #tpu.memory_space<hbm>>
    %dma_start3A_70 = arith.constant 0 : i32
    %dma_start3A_71 = tpu.memref_slice %arg4[%dma_start3A_70, %add3A_67] : memref<1600x16384xf32, #tpu.memory_space<hbm>> -> memref<1600x16xf32, #tpu.memory_space<hbm>>
    tpu.enqueue_dma source(%arg8 : memref<1600x16xf32, #tpu.memory_space<vmem>>) target(%dma_start3A_71 : memref<1600x16xf32, #tpu.memory_space<hbm>>) target_semaphore(%arg12 : memref<!tpu.dma_semaphore, #tpu.memory_space<semaphore_mem>>)
    %add3A_72 = arith.constant 464 : i32
    %add3A_73 = arith.addi %mul3A_4, %add3A_72 : i32
    %dma_wait3A_74 = arith.constant 0 : i32
    %dma_wait3A_75 = tpu.memref_slice %arg4[%dma_wait3A_74, %add3A_73] : memref<1600x16384xf32, #tpu.memory_space<hbm>> -> memref<1600x16xf32, #tpu.memory_space<hbm>>
    %dma_wait3A_76 = arith.constant 0 : i32
    %dma_wait3A_77 = tpu.memref_slice %arg4[%dma_wait3A_76, %add3A_73] : memref<1600x16384xf32, #tpu.memory_space<hbm>> -> memref<1600x16xf32, #tpu.memory_space<hbm>>
    tpu.wait_dma2 semaphore(%arg13 : memref<!tpu.dma_semaphore, #tpu.memory_space<semaphore_mem>>) src(%arg9 : memref<1600x16xf32, #tpu.memory_space<vmem>>) dst(%dma_wait3A_77 : memref<1600x16xf32, #tpu.memory_space<hbm>>)
    %dma_wait3A_78 = arith.constant 24800 : i32
    %dma_wait3A_79 = tpu.memref_slice %arg5[%dma_wait3A_78] : memref<25600xi32, #tpu.memory_space<vmem>> -> memref<800xi32, #tpu.memory_space<vmem>>
    %dma_wait3A_80 = arith.constant 0 : i32
    %dma_wait3A_81 = arith.constant 0 : i32
    %dma_wait3A_82 = tpu.memref_slice %arg2[%dma_wait3A_80, %dma_wait3A_81] : memref<1000000x32xf32, #tpu.memory_space<hbm>> -> memref<1000000x32xf32, #tpu.memory_space<hbm>>
    tpu.wait_indirect_dma semaphore(%arg11 : memref<!tpu.dma_semaphore, #tpu.memory_space<semaphore_mem>>) src(%dma_wait3A_82 : memref<1000000x32xf32, #tpu.memory_space<hbm>>) dst(%arg7 : memref<800x32xf32, #tpu.memory_space<vmem>>)
    %broadcast_in_dim3A_83 = arith.constant 0 : i32
    %broadcast_in_dim3A_84 = vector.broadcast %broadcast_in_dim3A_83 : i32 to vector<16xi32>
    %broadcast_in_dim3A_85 = arith.constant 1 : i32
    %broadcast_in_dim3A_86 = vector.broadcast %broadcast_in_dim3A_85 : i32 to vector<16xi32>
    %broadcast_in_dim3A_87 = arith.constant 2 : i32
    %broadcast_in_dim3A_88 = vector.broadcast %broadcast_in_dim3A_87 : i32 to vector<16xi32>
    %broadcast_in_dim3A_89 = arith.constant 3 : i32
    %broadcast_in_dim3A_90 = vector.broadcast %broadcast_in_dim3A_89 : i32 to vector<16xi32>
    %broadcast_in_dim3A_91 = arith.constant 4 : i32
    %broadcast_in_dim3A_92 = vector.broadcast %broadcast_in_dim3A_91 : i32 to vector<16xi32>
    %broadcast_in_dim3A_93 = arith.constant 5 : i32
    %broadcast_in_dim3A_94 = vector.broadcast %broadcast_in_dim3A_93 : i32 to vector<16xi32>
    %broadcast_in_dim3A_95 = arith.constant 6 : i32
    %broadcast_in_dim3A_96 = vector.broadcast %broadcast_in_dim3A_95 : i32 to vector<16xi32>
    %broadcast_in_dim3A_97 = arith.constant 7 : i32
    %broadcast_in_dim3A_98 = vector.broadcast %broadcast_in_dim3A_97 : i32 to vector<16xi32>
    %broadcast_in_dim3A_99 = arith.constant 8 : i32
    %broadcast_in_dim3A_100 = vector.broadcast %broadcast_in_dim3A_99 : i32 to vector<16xi32>
    %broadcast_in_dim3A_101 = arith.constant 9 : i32
    %broadcast_in_dim3A_102 = vector.broadcast %broadcast_in_dim3A_101 : i32 to vector<16xi32>
    %broadcast_in_dim3A_103 = arith.constant 10 : i32
    %broadcast_in_dim3A_104 = vector.broadcast %broadcast_in_dim3A_103 : i32 to vector<16xi32>
    %broadcast_in_dim3A_105 = arith.constant 11 : i32
    %broadcast_in_dim3A_106 = vector.broadcast %broadcast_in_dim3A_105 : i32 to vector<16xi32>
    %broadcast_in_dim3A_107 = arith.constant 12 : i32
    %broadcast_in_dim3A_108 = vector.broadcast %broadcast_in_dim3A_107 : i32 to vector<16xi32>
    %broadcast_in_dim3A_109 = arith.constant 13 : i32
    %broadcast_in_dim3A_110 = vector.broadcast %broadcast_in_dim3A_109 : i32 to vector<16xi32>
    %broadcast_in_dim3A_111 = arith.constant 14 : i32
    %broadcast_in_dim3A_112 = vector.broadcast %broadcast_in_dim3A_111 : i32 to vector<16xi32>
    %broadcast_in_dim3A_113 = arith.constant 15 : i32
    %broadcast_in_dim3A_114 = vector.broadcast %broadcast_in_dim3A_113 : i32 to vector<16xi32>
    %scan3A_115 = arith.constant 0 : i32
    %scan3A_116 = arith.constant 0 : i32
    %scan3A_117 = arith.constant 50 : i32
    %scan3A_118 = arith.addi %scan3A_116, %scan3A_117 : i32
    %scan3A_119 = arith.constant 1 : i32
    scf.for %scan3A_139 = %scan3A_116 to %scan3A_118 step %scan3A_119  : i32 {
      %mul3A_140 = arith.constant 32 : i32
      %mul3A_141 = arith.muli %scan3A_139, %mul3A_140 : i32
      %add3A_142 = vector.broadcast %mul3A_141 : i32 to vector<16xi32>
      %add3A_143 = arith.addi %iota3A, %add3A_142 : vector<16xi32>
      %add3A_144 = arith.constant 16 : i32
      %add3A_145 = vector.broadcast %add3A_144 : i32 to vector<16xi32>
      %add3A_146 = arith.addi %add3A_143, %add3A_145 : vector<16xi32>
      %add3A_147 = arith.constant 0 : i32
      %add3A_148 = arith.addi %add3A_147, %scan3A_139 : i32
      %get3A = arith.index_cast %add3A_148 : i32 to index
      %get3A_149 = arith.constant 0 : index
      %get3A_150 = tpu.vector_load %arg7[%get3A, %get3A_149] {strides = array<i32>} : memref<800x32xf32, #tpu.memory_space<vmem>>, vector<16xf32>,
      %get3A_151 = arith.index_cast %add3A_148 : i32 to index
      %get3A_152 = arith.constant 16 : index
      %get3A_153 = tpu.vector_load %arg7[%get3A_151, %get3A_152] {strides = array<i32>} : memref<800x32xf32, #tpu.memory_space<vmem>>, vector<16xf32>,
      tpu.vector_store_idx %arg9[%add3A_143, %broadcast_in_dim3A_84], %get3A_150 : memref<1600x16xf32, #tpu.memory_space<vmem>>[vector<16xi32>, vector<16xi32>], vector<16xf32>,
      tpu.vector_store_idx %arg9[%add3A_146, %broadcast_in_dim3A_84], %get3A_153 : memref<1600x16xf32, #tpu.memory_space<vmem>>[vector<16xi32>, vector<16xi32>], vector<16xf32>,
      %add3A_154 = arith.constant 50 : i32
      %add3A_155 = arith.addi %add3A_154, %scan3A_139 : i32
      %get3A_156 = arith.index_cast %add3A_155 : i32 to index
      %get3A_157 = arith.constant 0 : index
      %get3A_158 = tpu.vector_load %arg7[%get3A_156, %get3A_157] {strides = array<i32>} : memref<800x32xf32, #tpu.memory_space<vmem>>, vector<16xf32>,
      %get3A_159 = arith.index_cast %add3A_155 : i32 to index
      %get3A_160 = arith.constant 16 : index
      %get3A_161 = tpu.vector_load %arg7[%get3A_159, %get3A_160] {strides = array<i32>} : memref<800x32xf32, #tpu.memory_space<vmem>>, vector<16xf32>,
      tpu.vector_store_idx %arg9[%add3A_143, %broadcast_in_dim3A_86], %get3A_158 : memref<1600x16xf32, #tpu.memory_space<vmem>>[vector<16xi32>, vector<16xi32>], vector<16xf32>,
      tpu.vector_store_idx %arg9[%add3A_146, %broadcast_in_dim3A_86], %get3A_161 : memref<1600x16xf32, #tpu.memory_space<vmem>>[vector<16xi32>, vector<16xi32>], vector<16xf32>,
      %add3A_162 = arith.constant 100 : i32
      %add3A_163 = arith.addi %add3A_162, %scan3A_139 : i32
      %get3A_164 = arith.index_cast %add3A_163 : i32 to index
      %get3A_165 = arith.constant 0 : index
      %get3A_166 = tpu.vector_load %arg7[%get3A_164, %get3A_165] {strides = array<i32>} : memref<800x32xf32, #tpu.memory_space<vmem>>, vector<16xf32>,
      %get3A_167 = arith.index_cast %add3A_163 : i32 to index
      %get3A_168 = arith.constant 16 : index
      %get3A_169 = tpu.vector_load %arg7[%get3A_167, %get3A_168] {strides = array<i32>} : memref<800x32xf32, #tpu.memory_space<vmem>>, vector<16xf32>,
      tpu.vector_store_idx %arg9[%add3A_143, %broadcast_in_dim3A_88], %get3A_166 : memref<1600x16xf32, #tpu.memory_space<vmem>>[vector<16xi32>, vector<16xi32>], vector<16xf32>,
      tpu.vector_store_idx %arg9[%add3A_146, %broadcast_in_dim3A_88], %get3A_169 : memref<1600x16xf32, #tpu.memory_space<vmem>>[vector<16xi32>, vector<16xi32>], vector<16xf32>,
      %add3A_170 = arith.constant 150 : i32
      %add3A_171 = arith.addi %add3A_170, %scan3A_139 : i32
      %get3A_172 = arith.index_cast %add3A_171 : i32 to index
      %get3A_173 = arith.constant 0 : index
      %get3A_174 = tpu.vector_load %arg7[%get3A_172, %get3A_173] {strides = array<i32>} : memref<800x32xf32, #tpu.memory_space<vmem>>, vector<16xf32>,
      %get3A_175 = arith.index_cast %add3A_171 : i32 to index
      %get3A_176 = arith.constant 16 : index
      %get3A_177 = tpu.vector_load %arg7[%get3A_175, %get3A_176] {strides = array<i32>} : memref<800x32xf32, #tpu.memory_space<vmem>>, vector<16xf32>,
      tpu.vector_store_idx %arg9[%add3A_143, %broadcast_in_dim3A_90], %get3A_174 : memref<1600x16xf32, #tpu.memory_space<vmem>>[vector<16xi32>, vector<16xi32>], vector<16xf32>,
      tpu.vector_store_idx %arg9[%add3A_146, %broadcast_in_dim3A_90], %get3A_177 : memref<1600x16xf32, #tpu.memory_space<vmem>>[vector<16xi32>, vector<16xi32>], vector<16xf32>,
      %add3A_178 = arith.constant 200 : i32
      %add3A_179 = arith.addi %add3A_178, %scan3A_139 : i32
      %get3A_180 = arith.index_cast %add3A_179 : i32 to index
      %get3A_181 = arith.constant 0 : index
      %get3A_182 = tpu.vector_load %arg7[%get3A_180, %get3A_181] {strides = array<i32>} : memref<800x32xf32, #tpu.memory_space<vmem>>, vector<16xf32>,
      %get3A_183 = arith.index_cast %add3A_179 : i32 to index
      %get3A_184 = arith.constant 16 : index
      %get3A_185 = tpu.vector_load %arg7[%get3A_183, %get3A_184] {strides = array<i32>} : memref<800x32xf32, #tpu.memory_space<vmem>>, vector<16xf32>,
      tpu.vector_store_idx %arg9[%add3A_143, %broadcast_in_dim3A_92], %get3A_182 : memref<1600x16xf32, #tpu.memory_space<vmem>>[vector<16xi32>, vector<16xi32>], vector<16xf32>,
      tpu.vector_store_idx %arg9[%add3A_146, %broadcast_in_dim3A_92], %get3A_185 : memref<1600x16xf32, #tpu.memory_space<vmem>>[vector<16xi32>, vector<16xi32>], vector<16xf32>,
      %add3A_186 = arith.constant 250 : i32
      %add3A_187 = arith.addi %add3A_186, %scan3A_139 : i32
      %get3A_188 = arith.index_cast %add3A_187 : i32 to index
      %get3A_189 = arith.constant 0 : index
      %get3A_190 = tpu.vector_load %arg7[%get3A_188, %get3A_189] {strides = array<i32>} : memref<800x32xf32, #tpu.memory_space<vmem>>, vector<16xf32>,
      %get3A_191 = arith.index_cast %add3A_187 : i32 to index
      %get3A_192 = arith.constant 16 : index
      %get3A_193 = tpu.vector_load %arg7[%get3A_191, %get3A_192] {strides = array<i32>} : memref<800x32xf32, #tpu.memory_space<vmem>>, vector<16xf32>,
      tpu.vector_store_idx %arg9[%add3A_143, %broadcast_in_dim3A_94], %get3A_190 : memref<1600x16xf32, #tpu.memory_space<vmem>>[vector<16xi32>, vector<16xi32>], vector<16xf32>,
      tpu.vector_store_idx %arg9[%add3A_146, %broadcast_in_dim3A_94], %get3A_193 : memref<1600x16xf32, #tpu.memory_space<vmem>>[vector<16xi32>, vector<16xi32>], vector<16xf32>,
      %add3A_194 = arith.constant 300 : i32
      %add3A_195 = arith.addi %add3A_194, %scan3A_139 : i32
      %get3A_196 = arith.index_cast %add3A_195 : i32 to index
      %get3A_197 = arith.constant 0 : index
      %get3A_198 = tpu.vector_load %arg7[%get3A_196, %get3A_197] {strides = array<i32>} : memref<800x32xf32, #tpu.memory_space<vmem>>, vector<16xf32>,
      %get3A_199 = arith.index_cast %add3A_195 : i32 to index
      %get3A_200 = arith.constant 16 : index
      %get3A_201 = tpu.vector_load %arg7[%get3A_199, %get3A_200] {strides = array<i32>} : memref<800x32xf32, #tpu.memory_space<vmem>>, vector<16xf32>,
      tpu.vector_store_idx %arg9[%add3A_143, %broadcast_in_dim3A_96], %get3A_198 : memref<1600x16xf32, #tpu.memory_space<vmem>>[vector<16xi32>, vector<16xi32>], vector<16xf32>,
      tpu.vector_store_idx %arg9[%add3A_146, %broadcast_in_dim3A_96], %get3A_201 : memref<1600x16xf32, #tpu.memory_space<vmem>>[vector<16xi32>, vector<16xi32>], vector<16xf32>,
      %add3A_202 = arith.constant 350 : i32
      %add3A_203 = arith.addi %add3A_202, %scan3A_139 : i32
      %get3A_204 = arith.index_cast %add3A_203 : i32 to index
      %get3A_205 = arith.constant 0 : index
      %get3A_206 = tpu.vector_load %arg7[%get3A_204, %get3A_205] {strides = array<i32>} : memref<800x32xf32, #tpu.memory_space<vmem>>, vector<16xf32>,
      %get3A_207 = arith.index_cast %add3A_203 : i32 to index
      %get3A_208 = arith.constant 16 : index
      %get3A_209 = tpu.vector_load %arg7[%get3A_207, %get3A_208] {strides = array<i32>} : memref<800x32xf32, #tpu.memory_space<vmem>>, vector<16xf32>,
      tpu.vector_store_idx %arg9[%add3A_143, %broadcast_in_dim3A_98], %get3A_206 : memref<1600x16xf32, #tpu.memory_space<vmem>>[vector<16xi32>, vector<16xi32>], vector<16xf32>,
      tpu.vector_store_idx %arg9[%add3A_146, %broadcast_in_dim3A_98], %get3A_209 : memref<1600x16xf32, #tpu.memory_space<vmem>>[vector<16xi32>, vector<16xi32>], vector<16xf32>,
      %add3A_210 = arith.constant 400 : i32
      %add3A_211 = arith.addi %add3A_210, %scan3A_139 : i32
      %get3A_212 = arith.index_cast %add3A_211 : i32 to index
      %get3A_213 = arith.constant 0 : index
      %get3A_214 = tpu.vector_load %arg7[%get3A_212, %get3A_213] {strides = array<i32>} : memref<800x32xf32, #tpu.memory_space<vmem>>, vector<16xf32>,
      %get3A_215 = arith.index_cast %add3A_211 : i32 to index
      %get3A_216 = arith.constant 16 : index
      %get3A_217 = tpu.vector_load %arg7[%get3A_215, %get3A_216] {strides = array<i32>} : memref<800x32xf32, #tpu.memory_space<vmem>>, vector<16xf32>,
      tpu.vector_store_idx %arg9[%add3A_143, %broadcast_in_dim3A_100], %get3A_214 : memref<1600x16xf32, #tpu.memory_space<vmem>>[vector<16xi32>, vector<16xi32>], vector<16xf32>,
      tpu.vector_store_idx %arg9[%add3A_146, %broadcast_in_dim3A_100], %get3A_217 : memref<1600x16xf32, #tpu.memory_space<vmem>>[vector<16xi32>, vector<16xi32>], vector<16xf32>,
      %add3A_218 = arith.constant 450 : i32
      %add3A_219 = arith.addi %add3A_218, %scan3A_139 : i32
      %get3A_220 = arith.index_cast %add3A_219 : i32 to index
      %get3A_221 = arith.constant 0 : index
      %get3A_222 = tpu.vector_load %arg7[%get3A_220, %get3A_221] {strides = array<i32>} : memref<800x32xf32, #tpu.memory_space<vmem>>, vector<16xf32>,
      %get3A_223 = arith.index_cast %add3A_219 : i32 to index
      %get3A_224 = arith.constant 16 : index
      %get3A_225 = tpu.vector_load %arg7[%get3A_223, %get3A_224] {strides = array<i32>} : memref<800x32xf32, #tpu.memory_space<vmem>>, vector<16xf32>,
      tpu.vector_store_idx %arg9[%add3A_143, %broadcast_in_dim3A_102], %get3A_222 : memref<1600x16xf32, #tpu.memory_space<vmem>>[vector<16xi32>, vector<16xi32>], vector<16xf32>,
      tpu.vector_store_idx %arg9[%add3A_146, %broadcast_in_dim3A_102], %get3A_225 : memref<1600x16xf32, #tpu.memory_space<vmem>>[vector<16xi32>, vector<16xi32>], vector<16xf32>,
      %add3A_226 = arith.constant 500 : i32
      %add3A_227 = arith.addi %add3A_226, %scan3A_139 : i32
      %get3A_228 = arith.index_cast %add3A_227 : i32 to index
      %get3A_229 = arith.constant 0 : index
      %get3A_230 = tpu.vector_load %arg7[%get3A_228, %get3A_229] {strides = array<i32>} : memref<800x32xf32, #tpu.memory_space<vmem>>, vector<16xf32>,
      %get3A_231 = arith.index_cast %add3A_227 : i32 to index
      %get3A_232 = arith.constant 16 : index
      %get3A_233 = tpu.vector_load %arg7[%get3A_231, %get3A_232] {strides = array<i32>} : memref<800x32xf32, #tpu.memory_space<vmem>>, vector<16xf32>,
      tpu.vector_store_idx %arg9[%add3A_143, %broadcast_in_dim3A_104], %get3A_230 : memref<1600x16xf32, #tpu.memory_space<vmem>>[vector<16xi32>, vector<16xi32>], vector<16xf32>,
      tpu.vector_store_idx %arg9[%add3A_146, %broadcast_in_dim3A_104], %get3A_233 : memref<1600x16xf32, #tpu.memory_space<vmem>>[vector<16xi32>, vector<16xi32>], vector<16xf32>,
      %add3A_234 = arith.constant 550 : i32
      %add3A_235 = arith.addi %add3A_234, %scan3A_139 : i32
      %get3A_236 = arith.index_cast %add3A_235 : i32 to index
      %get3A_237 = arith.constant 0 : index
      %get3A_238 = tpu.vector_load %arg7[%get3A_236, %get3A_237] {strides = array<i32>} : memref<800x32xf32, #tpu.memory_space<vmem>>, vector<16xf32>,
      %get3A_239 = arith.index_cast %add3A_235 : i32 to index
      %get3A_240 = arith.constant 16 : index
      %get3A_241 = tpu.vector_load %arg7[%get3A_239, %get3A_240] {strides = array<i32>} : memref<800x32xf32, #tpu.memory_space<vmem>>, vector<16xf32>,
      tpu.vector_store_idx %arg9[%add3A_143, %broadcast_in_dim3A_106], %get3A_238 : memref<1600x16xf32, #tpu.memory_space<vmem>>[vector<16xi32>, vector<16xi32>], vector<16xf32>,
      tpu.vector_store_idx %arg9[%add3A_146, %broadcast_in_dim3A_106], %get3A_241 : memref<1600x16xf32, #tpu.memory_space<vmem>>[vector<16xi32>, vector<16xi32>], vector<16xf32>,
      %add3A_242 = arith.constant 600 : i32
      %add3A_243 = arith.addi %add3A_242, %scan3A_139 : i32
      %get3A_244 = arith.index_cast %add3A_243 : i32 to index
      %get3A_245 = arith.constant 0 : index
      %get3A_246 = tpu.vector_load %arg7[%get3A_244, %get3A_245] {strides = array<i32>} : memref<800x32xf32, #tpu.memory_space<vmem>>, vector<16xf32>,
      %get3A_247 = arith.index_cast %add3A_243 : i32 to index
      %get3A_248 = arith.constant 16 : index
      %get3A_249 = tpu.vector_load %arg7[%get3A_247, %get3A_248] {strides = array<i32>} : memref<800x32xf32, #tpu.memory_space<vmem>>, vector<16xf32>,
      tpu.vector_store_idx %arg9[%add3A_143, %broadcast_in_dim3A_108], %get3A_246 : memref<1600x16xf32, #tpu.memory_space<vmem>>[vector<16xi32>, vector<16xi32>], vector<16xf32>,
      tpu.vector_store_idx %arg9[%add3A_146, %broadcast_in_dim3A_108], %get3A_249 : memref<1600x16xf32, #tpu.memory_space<vmem>>[vector<16xi32>, vector<16xi32>], vector<16xf32>,
      %add3A_250 = arith.constant 650 : i32
      %add3A_251 = arith.addi %add3A_250, %scan3A_139 : i32
      %get3A_252 = arith.index_cast %add3A_251 : i32 to index
      %get3A_253 = arith.constant 0 : index
      %get3A_254 = tpu.vector_load %arg7[%get3A_252, %get3A_253] {strides = array<i32>} : memref<800x32xf32, #tpu.memory_space<vmem>>, vector<16xf32>,
      %get3A_255 = arith.index_cast %add3A_251 : i32 to index
      %get3A_256 = arith.constant 16 : index
      %get3A_257 = tpu.vector_load %arg7[%get3A_255, %get3A_256] {strides = array<i32>} : memref<800x32xf32, #tpu.memory_space<vmem>>, vector<16xf32>,
      tpu.vector_store_idx %arg9[%add3A_143, %broadcast_in_dim3A_110], %get3A_254 : memref<1600x16xf32, #tpu.memory_space<vmem>>[vector<16xi32>, vector<16xi32>], vector<16xf32>,
      tpu.vector_store_idx %arg9[%add3A_146, %broadcast_in_dim3A_110], %get3A_257 : memref<1600x16xf32, #tpu.memory_space<vmem>>[vector<16xi32>, vector<16xi32>], vector<16xf32>,
      %add3A_258 = arith.constant 700 : i32
      %add3A_259 = arith.addi %add3A_258, %scan3A_139 : i32
      %get3A_260 = arith.index_cast %add3A_259 : i32 to index
      %get3A_261 = arith.constant 0 : index
      %get3A_262 = tpu.vector_load %arg7[%get3A_260, %get3A_261] {strides = array<i32>} : memref<800x32xf32, #tpu.memory_space<vmem>>, vector<16xf32>,
      %get3A_263 = arith.index_cast %add3A_259 : i32 to index
      %get3A_264 = arith.constant 16 : index
      %get3A_265 = tpu.vector_load %arg7[%get3A_263, %get3A_264] {strides = array<i32>} : memref<800x32xf32, #tpu.memory_space<vmem>>, vector<16xf32>,
      tpu.vector_store_idx %arg9[%add3A_143, %broadcast_in_dim3A_112], %get3A_262 : memref<1600x16xf32, #tpu.memory_space<vmem>>[vector<16xi32>, vector<16xi32>], vector<16xf32>,
      tpu.vector_store_idx %arg9[%add3A_146, %broadcast_in_dim3A_112], %get3A_265 : memref<1600x16xf32, #tpu.memory_space<vmem>>[vector<16xi32>, vector<16xi32>], vector<16xf32>,
      %add3A_266 = arith.constant 750 : i32
      %add3A_267 = arith.addi %add3A_266, %scan3A_139 : i32
      %get3A_268 = arith.index_cast %add3A_267 : i32 to index
      %get3A_269 = arith.constant 0 : index
      %get3A_270 = tpu.vector_load %arg7[%get3A_268, %get3A_269] {strides = array<i32>} : memref<800x32xf32, #tpu.memory_space<vmem>>, vector<16xf32>,
      %get3A_271 = arith.index_cast %add3A_267 : i32 to index
      %get3A_272 = arith.constant 16 : index
      %get3A_273 = tpu.vector_load %arg7[%get3A_271, %get3A_272] {strides = array<i32>} : memref<800x32xf32, #tpu.memory_space<vmem>>, vector<16xf32>,
      tpu.vector_store_idx %arg9[%add3A_143, %broadcast_in_dim3A_114], %get3A_270 : memref<1600x16xf32, #tpu.memory_space<vmem>>[vector<16xi32>, vector<16xi32>], vector<16xf32>,
      tpu.vector_store_idx %arg9[%add3A_146, %broadcast_in_dim3A_114], %get3A_273 : memref<1600x16xf32, #tpu.memory_space<vmem>>[vector<16xi32>, vector<16xi32>], vector<16xf32>,
    }
    %scan3A_120 = arith.constant 50 : i32
    %add3A_121 = arith.constant 496 : i32
    %add3A_122 = arith.addi %mul3A_4, %add3A_121 : i32
    %dma_start3A_123 = arith.constant 0 : i32
    %dma_start3A_124 = tpu.memref_slice %arg4[%dma_start3A_123, %add3A_122] : memref<1600x16384xf32, #tpu.memory_space<hbm>> -> memref<1600x16xf32, #tpu.memory_space<hbm>>
    %dma_start3A_125 = arith.constant 0 : i32
    %dma_start3A_126 = tpu.memref_slice %arg4[%dma_start3A_125, %add3A_122] : memref<1600x16384xf32, #tpu.memory_space<hbm>> -> memref<1600x16xf32, #tpu.memory_space<hbm>>
    tpu.enqueue_dma source(%arg9 : memref<1600x16xf32, #tpu.memory_space<vmem>>) target(%dma_start3A_126 : memref<1600x16xf32, #tpu.memory_space<hbm>>) target_semaphore(%arg13 : memref<!tpu.dma_semaphore, #tpu.memory_space<semaphore_mem>>)
    %add3A_127 = arith.constant 480 : i32
    %add3A_128 = arith.addi %mul3A_4, %add3A_127 : i32
    %dma_wait3A_129 = arith.constant 0 : i32
    %dma_wait3A_130 = tpu.memref_slice %arg4[%dma_wait3A_129, %add3A_128] : memref<1600x16384xf32, #tpu.memory_space<hbm>> -> memref<1600x16xf32, #tpu.memory_space<hbm>>
    %dma_wait3A_131 = arith.constant 0 : i32
    %dma_wait3A_132 = tpu.memref_slice %arg4[%dma_wait3A_131, %add3A_128] : memref<1600x16384xf32, #tpu.memory_space<hbm>> -> memref<1600x16xf32, #tpu.memory_space<hbm>>
    tpu.wait_dma2 semaphore(%arg12 : memref<!tpu.dma_semaphore, #tpu.memory_space<semaphore_mem>>) src(%arg8 : memref<1600x16xf32, #tpu.memory_space<vmem>>) dst(%dma_wait3A_132 : memref<1600x16xf32, #tpu.memory_space<hbm>>)
    %add3A_133 = arith.constant 496 : i32
    %add3A_134 = arith.addi %mul3A_4, %add3A_133 : i32
    %dma_wait3A_135 = arith.constant 0 : i32
    %dma_wait3A_136 = tpu.memref_slice %arg4[%dma_wait3A_135, %add3A_134] : memref<1600x16384xf32, #tpu.memory_space<hbm>> -> memref<1600x16xf32, #tpu.memory_space<hbm>>
    %dma_wait3A_137 = arith.constant 0 : i32
    %dma_wait3A_138 = tpu.memref_slice %arg4[%dma_wait3A_137, %add3A_134] : memref<1600x16384xf32, #tpu.memory_space<hbm>> -> memref<1600x16xf32, #tpu.memory_space<hbm>>
    tpu.wait_dma2 semaphore(%arg13 : memref<!tpu.dma_semaphore, #tpu.memory_space<semaphore_mem>>) src(%arg9 : memref<1600x16xf32, #tpu.memory_space<vmem>>) dst(%dma_wait3A_138 : memref<1600x16xf32, #tpu.memory_space<hbm>>)
    return
  }
}

</mosaic_0001>

<sc_bundles>
// kernel: kernel.3.cloned.1.call-start
scs
__scs_entry_jumppad:
0x0: {  	(pc) =	sbr.rel $0x88, $3  }
0x1: {  	(tag) =	ssettag $0x0;
	lr =	simm.s32 $0x1  }
0x2: {  	[smem:$0x3F9F] =	sst lr;
	_ =	strace $0xD0000000  }
0x3: {  	_ = 	snop  }
0x4: {  	_ = 	snop  }
0x5: {  	_ = 	snop  }
0x6: {  	_ = 	snop  }
0x7: {  	_ = 	snop  }
__scs_overlays_trampoline_lowered:
0x8: {  	[smem:$0x3FAE] =	sst s0  }
0x9: {  	[smem:$0x3FAF] =	sst s1  }
0xa: {  	[smem:$0x3FB0] =	sst s2  }
0xb: {  	[smem:$0x3FB1] =	sst s3  }
0xc: {  	[smem:$0x3FB2] =	sst s4  }
0xd: {  	[smem:$0x3FB3] =	sst s5  }
0xe: {  	[smem:$0x3FB4] =	sst s6  }
0xf: {  	[smem:$0x3FB5] =	sst s7  }
0x10: {  	[smem:$0x3FB6] =	sst s8  }
0x11: {  	[smem:$0x3FB7] =	sst s9;
	s0 =	simm.s32 @!p0 $0x0  }
0x12: {  	s1 =	sld [smem:$0x3F9D];
	s0 =	simm.s32 @p0 $0x1  }
0x13: {  	[smem:$0x3FB8] =	sst s0;
	s0 =	simm.s32 @!p1 $0x0  }
0x14: {  	s2 =	sld [smem:$0x3F9C];
	s0 =	simm.s32 @p1 $0x1  }
0x15: {  	[smem:$0x3FB9] =	sst s0;
	s0 =	simm.s32 @!p2 $0x0  }
0x16: {  	s3 =	sld [smem:$0x3FDB];
	s0 =	simm.s32 @p2 $0x1  }
0x17: {  	s4 =	simm.s32 $0x1BF5;
	[smem:$0x3FBB] =	sst s0  }
0x18: {  	s0 =	sld [smem:$0x3F9E];
	_ =	swait.ge [sflag:s4], $0x0  }
0x19: {  	s7 =	sld [smem:$0x3F9F]  }
0x1a: {  	s8 =	sadd.s32 $0xFFFFE003, lr  }
0x1b: {  	s9 =	sadd.s32 $0xFFFFFEF7, lr;
	s5 =	simm.s32 $0xFFFFFFFF;
	p2 =	slt.u32 s8, $0xFFFFF086  }
0x1c: {  	p1 =	slt.u32 s9, $0xF7A;
	s5 =	simm.s32 @!p2 $0x0  }
0x1d: {  	s5 =	simm.s32 @p1 $0x1;
	p0 =	seq.s32 s7, s2  }
0x1e: {  	s7 =	smul.u32 @!p0 $0xF7A, s2;
	p2 =	seq.s32 @!p0 s5, $0x0  }
0x1f: {  	s9 =	smul.u32 $0xF7A, s1;
	s8 =	simm.s32 @!p0 $0x1BF5;
	p2 =	por !p2, p0  }
0x20: {  	[sflag:s8] =	ssyncset.s32 @!p0 $0xFFFFF086;
	s6 =	sadd.s32 @!p0 s3, s7;
	s7 =	simm.s32 @!p0 $0x108  }
0x21: {  	s3 =	sadd.s32 s3, s9;
	s6 =	sadd.s32 @!p0 $0x88, s6;
	s7 =	simm.s32 @p2 $0x1082  }
0x22: {  	[simem:s7], [sflag:s8] =	dma.local @!p0 [hbm:s6], $0xF7A  }
0x23: {  	s9 =	sor.u32 $0xD0000000, s2;
	s6 =	simm.s32 $0x108;
	_ =	swait.ge @!p0 [sflag:s8], $0x0  }
0x24: {  	s3 =	sadd.s32 $0x88, s3;
	s6 =	simm.s32 @!p1 $0x1082;
	[sflag:s4] =	ssyncset.s32 $0xFFFFF086  }
0x25: {  	[simem:s6], [sflag:s4] =	dma.local [hbm:s3], $0xF7A  }
0x26: {  	[smem:$0x3F9F] =	sst s1;
	(tag) =	ssettag s2;
	_ =	strace s9  }
0x27: {  	s1 =	sld [smem:$0x3FAF]  }
0x28: {  	s2 =	sld [smem:$0x3FB0]  }
0x29: {  	s4 =	sld [smem:$0x3FB2]  }
0x2a: {  	p0 =	seq.s32 s5, $0x0;
	s5 =	sld [smem:$0x3FB3]  }
0x2b: {  	s6 =	sld [smem:$0x3FB4]  }
0x2c: {  	s7 =	sld [smem:$0x3FB5]  }
0x2d: {  	s3 =	simm.s32 $0x108;
	s8 =	sld [smem:$0x3FB6]  }
0x2e: {  	s3 =	simm.s32 @!p0 $0x1082;
	s9 =	sld [smem:$0x3FB7]  }
0x2f: {  	lr =	sadd.s32 s0, s3;
	s0 =	sld [smem:$0x3FAE]  }
0x30: {  	s3 =	sld [smem:$0x3FB1]  }
0x31: {  	[smem:$0x3FBA] =	sst s10  }
0x32: {  	s10 =	sld [smem:$0x3FB8];
	_ =	sdelay $0x3  }
0x33: {  	p0 =	seq.s32 s10, $0x1;
	s10 =	sld [smem:$0x3FBA];
	_ =	sdelay $0x3  }
0x34: {  	[smem:$0x3FBA] =	sst s10  }
0x35: {  	s10 =	sld [smem:$0x3FB9];
	_ =	sdelay $0x3  }
0x36: {  	p1 =	seq.s32 s10, $0x1;
	s10 =	sld [smem:$0x3FBA];
	_ =	sdelay $0x3  }
0x37: {  	[smem:$0x3FBA] =	sst s10  }
0x38: {  	s10 =	sld [smem:$0x3FBB]  }
0x39: {  	_ = 	snop;
	(pc) =	sbr.ind lr, $3  }
0x3a: {  	_ = 	snop  }
0x3b: {  	_ = 	snop  }
0x3c: {  	p2 =	seq.s32 s10, $0x1;
	s10 =	sld [smem:$0x3FBA]  }
0x3d: {  	_ =	shalt  }
0x3e: {  	_ =	shalt  }
0x3f: {  	_ =	shalt  }
0x40: {  	_ =	shalt  }
0x41: {  	_ =	shalt  }
0x42: {  	_ =	shalt  }
0x43: {  	_ =	shalt  }
0x44: {  	_ =	shalt  }
0x45: {  	_ =	shalt  }
0x46: {  	_ =	shalt  }
0x47: {  	_ =	shalt  }
0x48: {  	_ =	shalt  }
0x49: {  	_ =	shalt  }
0x4a: {  	_ =	shalt  }
0x4b: {  	_ =	shalt  }
0x4c: {  	_ =	shalt  }
0x4d: {  	_ =	shalt  }
0x4e: {  	_ =	shalt  }
0x4f: {  	_ =	shalt  }
0x50: {  	_ =	shalt  }
0x51: {  	_ =	shalt  }
0x52: {  	_ =	shalt  }
0x53: {  	_ =	shalt  }
0x54: {  	_ =	shalt  }
0x55: {  	_ =	shalt  }
0x56: {  	_ =	shalt  }
0x57: {  	_ =	shalt  }
0x58: {  	_ =	shalt  }
0x59: {  	_ =	shalt  }
0x5a: {  	_ =	shalt  }
0x5b: {  	_ =	shalt  }
0x5c: {  	_ =	shalt  }
0x5d: {  	_ =	shalt  }
0x5e: {  	_ =	shalt  }
0x5f: {  	_ =	shalt  }
0x60: {  	_ =	shalt  }
0x61: {  	_ =	shalt  }
0x62: {  	_ =	shalt  }
0x63: {  	_ =	shalt  }
0x64: {  	_ =	shalt  }
0x65: {  	_ =	shalt  }
0x66: {  	_ =	shalt  }
0x67: {  	_ =	shalt  }
0x68: {  	_ =	shalt  }
0x69: {  	_ =	shalt  }
0x6a: {  	_ =	shalt  }
0x6b: {  	_ =	shalt  }
0x6c: {  	_ =	shalt  }
0x6d: {  	_ =	shalt  }
0x6e: {  	_ =	shalt  }
0x6f: {  	_ =	shalt  }
0x70: {  	_ =	shalt  }
0x71: {  	_ =	shalt  }
0x72: {  	_ =	shalt  }
0x73: {  	_ =	shalt  }
0x74: {  	_ =	shalt  }
0x75: {  	_ =	shalt  }
0x76: {  	_ =	shalt  }
0x77: {  	_ =	shalt  }
0x78: {  	_ =	shalt  }
0x79: {  	_ =	shalt  }
0x7a: {  	_ =	shalt  }
0x7b: {  	_ =	shalt  }
0x7c: {  	_ =	shalt  }
0x7d: {  	_ =	shalt  }
0x7e: {  	_ =	shalt  }
0x7f: {  	_ =	shalt  }
0x80: {  	_ =	shalt  }
0x81: {  	_ =	shalt  }
0x82: {  	_ =	shalt  }
0x83: {  	_ =	shalt  }
0x84: {  	_ =	shalt  }
0x85: {  	_ =	shalt  }
0x86: {  	_ =	shalt  }
0x87: {  	_ =	shalt  }
.Lfunc_end0:
.L_simem_size_0:
called_computation_lowered:
.L_overlay_start_0:
0x88: {  	s2 =	sld [smem:$0x3FD9]  }
0x89: {  	s3 =	sld [smem:$0x3FFE];
	_ =	sdelay $0x1  }
0x8a: {  	s1 =	srdreg.scid  }
0x8b: {  	s0 =	sand.u32 $0x1, s1  }
0x8c: {  	s17 =	sshll.u32 s0, $0xA;
	s2 =	sadd.s32 s3, s2  }
0x8d: {  	s2 =	sadd.s32 s2, s17  }
0x8e: {  	[smem:$0x3FC6] =	sst s2  }
0x8f: {  	_ = 	snop  }
0x90: {  	s2 =	sld [smem:$0x3FD0];
	(tm) =	ssettm $0x1  }
0x91: {  	s18 =	sld [smem:$0x3FFB];
	_ =	sdelay $0x3  }
0x92: {  	_ =	strace s18  }
0x93: {  	s3 =	sld [smem:$0x3FFC];
	_ =	sdelay $0x3  }
0x94: {  	_ =	strace s3  }
0x95: {  	s3 =	sld [smem:$0x3FFD];
	_ =	sdelay $0x3  }
0x96: {  	_ =	strace s3  }
0x97: {  	_ =	strace $0x8FFFFFFF  }
0x98: {  	s19 =	sld [smem:$0x3FDB];
	_ =	sdelay $0x1  }
0x99: {  	s4 =	simm.s32 $_scs_section_size  }
0x9a: {  	s5 =	simm.s32 $_size__tile_overlayer_lowered;
	s6 =	simm.s32 $_tile_overlayer_lowered  }
0x9b: {  	s22 =	simm.s32 $0x1BFF;
	s21 =	sshll.u32 s6, $0x1;
	s3 =	sadd.s32 s4, s19  }
0x9c: {  	s7 =	simm.s32 $0x0;
	s20 =	sshll.u32 s5, $0x1;
	s5 =	sadd.s32 s21, s3  }
0x9d: {  	[timem:s7], [sflag:s22] =	dma.local [hbm:s5], s20  }
0x9e: {  	_ =	swait.ge [sflag:s22], s20  }
0x9f: {  	s4 =	ssub.s32 $0x0, s20;
	[sflag:s22] =	ssyncset.done $0x0  }
0xa0: {  	[sflag:s22] =	ssyncadd.s32 s4;
	_ =	sdelay $0x1  }
0xa1: {  	s23 =	simm.s32 $0x1B8B  }
0xa2: {  	_ =	swait.ge [sflag:s23], $0x1  }
0xa3: {  	[sflag:s23] =	ssyncset.done $0x0  }
0xa4: {  	s25 =	simm.s32 $0x1B8E;
	s24 =	sld [smem:$0x3FFE];
	[sflag:s23] =	ssyncadd.s32 $0xFFFFFFFF  }
0xa5: {  	s26 =	simm.s32 $execute0_lowered;
	[smem:$0x3FD2] =	sst s25  }
0xa6: {  	s5 =	sshll.u32 s26, $0x1;
	_ =	strace $0x80000046;
	[dreg:$0x1] =	wrdreg $0xFFFFFFFF  }
0xa7: {  	s28 =	simm.s32 $_size_execute0_lowered;
	s3 =	sadd.s32 s3, s5;
	[dreg:$0x0] =	wrdreg $0x0  }
0xa8: {  	s5 =	sshll.u32 s28, $0x1;
	[dreg:$0x2] =	wrdreg s3  }
0xa9: {  	[dreg:$0x3] =	wrdreg s5  }
0xaa: {  	[dreg:$0x4] =	wrdreg $0xC0  }
0xab: {  	_ =	task [dreg:s7], $0x5FFFF  }
0xac: {  	[dreg:$0x1] =	wrdreg $0xFFFFFFFF  }
0xad: {  	[dreg:$0x0] =	wrdreg $0x60  }
0xae: {  	[dreg:$0x2] =	wrdreg s24  }
0xaf: {  	[dreg:$0x3] =	wrdreg s2  }
0xb0: {  	[dreg:$0x4] =	wrdreg $0x9  }
0xb1: {  	_ =	task.clear_ibuf [dreg:s7], $0x5FFFF;
	_ =	strace $0x90000046  }
0xb2: {  	s29 =	simm.s32 $0x9;
	_ =	strace $0x80000048  }
0xb3: {  	_ =	swait.ge [sflag:s29], $0x1  }
0xb4: {  	[sflag:s29] =	ssyncadd.s32 $0xFFFFFFFF  }
0xb5: {  	_ =	strace $0x90000048  }
0xb6: {  	_ =	sfence  }
0xb7: {  	s30 =	sld [smem:$0x0];
	_ =	sdelay $0x2  }
0xb8: {  	s31 =	sshll.u32 s1, $0xD;
	s1 =	sshrl.u32 s1, $0x2  }
0xb9: {  	s3 =	sand.u32 $0x4000, s31;
	s1 =	sadd.s32 s1, s30  }
0xba: {  	s0 =	sor.u32 s3, s0;
	s1 =	sshll.u32 s1, $0x11  }
0xbb: {  	s0 =	sor.u32 s1, s0  }
0xbc: {  	s0 =	sadd.s32 $0x8F2B, s0  }
0xbd: {  	[sflag:s0] =	ssyncadd.remote.s32 $0x1  }
0xbe: {  	_ =	sfence.sel $0xFFFF  }
0xbf: {  	[dreg:$0x0] =	wrdreg $0xFFFFFFFF;
	(pc) =	sbr.abs _section_cstart, $3  }
0xc0: {  	[dreg:$0x1] =	wrdreg $0xFFFFFFFF  }
0xc1: {  	_ =	task.clear_ibuf [dreg:s7], $0x2FFFF;
	_ =	strace $0x9FFFFFFF  }
0xc2: {  	(tm) =	ssettm $0x7FFFFFFF  }
0xc3: {  	_ =	shalt  }
tec
execute0_lowered:
.L_overlay_start_1:
0x0: {  	(tag) =	ssettag $0x1  }
0x1: {  	s4 =	rddreg [dreg:$0x0]  }
0x2: {  	s6 =	rddreg [dreg:$0x1]  }
0x3: {  	s0 =	rddreg [dreg:$0x2];
	s2 =	simm.s32 $0x0  }
0x4: {  	s3 =	srdreg.scid;
	s1 =	stileid.u32;
	s12 =	simm.s32 $0x6400  }
0x5: {  	s13 =	simm.s32 $0xC800;
	s14 =	simm.s32 $0x1;
	s15 =	simm.s32 $0x12C00  }
0x6: {  	s16 =	simm.s32 $0x10;
	s17 =	simm.s32 $0x4000;
	s18 =	simm.s32 $0x2  }
0x7: {  	s19 =	simm.s32 $0x19000;
	s20 =	simm.s32 $0x3;
	s21 =	simm.s32 $0x4  }
0x8: {  	s22 =	simm.s32 $0x0;
	[smem:$0x7FF] =	sst s2;
	s5 =	sand.u32 $0x1, s3  }
0x9: {  	s7 =	sshll.u32 s1, $0x1;
	s3 =	sadd.s32 $0x600, s4;
	s4 =	sadd.s32 $0xF42A00, s4  }
0xa: {  	_ =	strace $0x80000047;
	s8 =	ssub.s32 $0x2, s5;
	s5 =	sor.u32 s5, s7  }
0xb: {  	v0 =	vlaneseq.u32;
	s30 =	sshrl.u32 s8, $0x1;
	s9 =	smul.u32 $0xC80, s5;
	s10 =	sshll.u32 s5, $0x6  }
0xc: {  	v0 =	vmul.u32 $0x10, v0;
	s5 =	sshll.u32 s5, $0x9;
	s11 =	ssub.s32 s8, s30;
	s31 =	sadd.s32 s10, s3  }
0xd: {  	s10 =	simm.s32 $0x5;
	s6 =	sadd.s32 s6, s9;
	s7 =	sadd.s32 $0x3C, s31  }
0xe: {  	v1 =	vor.u32 $0x100, v0;
	s8 =	sadd.s32 $0x3E, s31;
	s9 =	smax.u32 s11, $0x1;
	s11 =	simm.s32 $0x320  }
.LBB2_1:
0xf: {  	[tilespmem:s2], [sflag:$0x5] =	stream.linear.gather [hbm4b:s6+s2], $0x6400, $0x38;
	[tilespmem:$0x1F400] =	vst v63  }
0x10: {  	_ =	swait.ge [sflag:s10], $0x6400  }
0x11: {  	[sflag:s10] =	ssyncset.done $0x0  }
0x12: {  	[sflag:s10] =	ssyncadd.s32 $0xFFFF9C00  }
0x13: {  	[tilespmem:s12], [sflag:$0x1] =	stream.indirect.gather [hbm4b:s4+s11], $0x20, s2, s11, $0xb8;
	[tilespmem:$0x1F400] =	vst v63  }
0x14: {  	s23 =	simm.s32 $0x0  }
0x15: {  	[tilespmem:s13], [sflag:$0x2] =	stream.indirect.gather [hbm4b:s4+s11], $0x20, s11, s11, $0xb8;
	[tilespmem:$0x1F400] =	vst v63  }
.LBB2_2:
0x16: {  	p0 =	seq.s32 s23, $0x0  }
0x17: {  	s24 =	simm.s32 @!p0 $0x3  }
0x18: {  	_ =	swait.ge @!p0 [sflag:s24], $0x6400  }
0x19: {  	[sflag:s24] =	ssyncset.done @!p0 $0x0  }
0x1a: {  	[sflag:s24] =	ssyncadd.s32 @!p0 $0xFFFF9C00  }
0x1b: {  	s30 =	simm.s32 $0x0;
	_ =	swait.ge [sflag:s14], $0x6400  }
0x1c: {  	v2 =	vmov s30;
	[sflag:s14] =	ssyncset.done $0x0  }
0x1d: {  	s31 =	simm.s32 $0x0;
	v2 =	vshll.u32 v2, $0x4;
	[sflag:s14] =	ssyncadd.s32 $0xFFFF9C00  }
0x1e: {  	v4 =	vor.u32 v0, v2;
	v3 =	vld [tilespmem:s31+$0x6400]  }
0x1f: {  	v6 =	vor.u32 v1, v2;
	v5 =	vld [tilespmem:s31+$0x6410];
	_ =	sdelay $0x3  }
0x20: {  	[tilespmem:v4+s15+$0x0] =	vst.idx.msk $0xffff, v3  }
0x21: {  	[tilespmem:v6+s15+$0x0] =	vst.idx.msk $0xffff, v5  }
0x22: {  	v3 =	vor.u32 $0x1, v4;
	v2 =	vld [tilespmem:s31+$0x6A40]  }
0x23: {  	v7 =	vor.u32 $0x1, v6;
	v5 =	vld [tilespmem:s31+$0x6A50];
	_ =	sdelay $0x3  }
0x24: {  	[tilespmem:v3+s15+$0x0] =	vst.idx.msk $0xffff, v2  }
0x25: {  	[tilespmem:v7+s15+$0x0] =	vst.idx.msk $0xffff, v5  }
0x26: {  	v3 =	vor.u32 $0x2, v4;
	v2 =	vld [tilespmem:s31+$0x7080]  }
0x27: {  	v7 =	vor.u32 $0x2, v6;
	v5 =	vld [tilespmem:s31+$0x7090];
	_ =	sdelay $0x3  }
0x28: {  	[tilespmem:v3+s15+$0x0] =	vst.idx.msk $0xffff, v2  }
0x29: {  	[tilespmem:v7+s15+$0x0] =	vst.idx.msk $0xffff, v5  }
0x2a: {  	v3 =	vor.u32 $0x3, v4;
	v2 =	vld [tilespmem:s31+$0x76C0]  }
0x2b: {  	v7 =	vor.u32 $0x3, v6;
	v5 =	vld [tilespmem:s31+$0x76D0];
	_ =	sdelay $0x3  }
0x2c: {  	[tilespmem:v3+s15+$0x0] =	vst.idx.msk $0xffff, v2  }
0x2d: {  	[tilespmem:v7+s15+$0x0] =	vst.idx.msk $0xffff, v5  }
0x2e: {  	v3 =	vor.u32 $0x4, v4;
	v2 =	vld [tilespmem:s31+$0x7D00]  }
0x2f: {  	v7 =	vor.u32 $0x4, v6;
	v5 =	vld [tilespmem:s31+$0x7D10];
	_ =	sdelay $0x3  }
0x30: {  	[tilespmem:v3+s15+$0x0] =	vst.idx.msk $0xffff, v2  }
0x31: {  	[tilespmem:v7+s15+$0x0] =	vst.idx.msk $0xffff, v5  }
0x32: {  	v3 =	vor.u32 $0x5, v4;
	v2 =	vld [tilespmem:s31+$0x8340]  }
0x33: {  	v7 =	vor.u32 $0x5, v6;
	v5 =	vld [tilespmem:s31+$0x8350];
	_ =	sdelay $0x3  }
0x34: {  	[tilespmem:v3+s15+$0x0] =	vst.idx.msk $0xffff, v2  }
0x35: {  	[tilespmem:v7+s15+$0x0] =	vst.idx.msk $0xffff, v5  }
0x36: {  	v3 =	vor.u32 $0x6, v4;
	v2 =	vld [tilespmem:s31+$0x8980]  }
0x37: {  	v7 =	vor.u32 $0x6, v6;
	v5 =	vld [tilespmem:s31+$0x8990];
	_ =	sdelay $0x3  }
0x38: {  	[tilespmem:v3+s15+$0x0] =	vst.idx.msk $0xffff, v2  }
0x39: {  	[tilespmem:v7+s15+$0x0] =	vst.idx.msk $0xffff, v5  }
0x3a: {  	v3 =	vor.u32 $0x7, v4;
	v2 =	vld [tilespmem:s31+$0x8FC0]  }
0x3b: {  	v7 =	vor.u32 $0x7, v6;
	v5 =	vld [tilespmem:s31+$0x8FD0];
	_ =	sdelay $0x3  }
0x3c: {  	[tilespmem:v3+s15+$0x0] =	vst.idx.msk $0xffff, v2  }
0x3d: {  	[tilespmem:v7+s15+$0x0] =	vst.idx.msk $0xffff, v5  }
0x3e: {  	v3 =	vor.u32 $0x8, v4;
	v2 =	vld [tilespmem:s31+$0x9600]  }
0x3f: {  	v7 =	vor.u32 $0x8, v6;
	v5 =	vld [tilespmem:s31+$0x9610];
	_ =	sdelay $0x3  }
0x40: {  	[tilespmem:v3+s15+$0x0] =	vst.idx.msk $0xffff, v2  }
0x41: {  	[tilespmem:v7+s15+$0x0] =	vst.idx.msk $0xffff, v5  }
0x42: {  	v3 =	vor.u32 $0x9, v4;
	v2 =	vld [tilespmem:s31+$0x9C40]  }
0x43: {  	v7 =	vor.u32 $0x9, v6;
	v5 =	vld [tilespmem:s31+$0x9C50];
	_ =	sdelay $0x3  }
0x44: {  	[tilespmem:v3+s15+$0x0] =	vst.idx.msk $0xffff, v2  }
0x45: {  	[tilespmem:v7+s15+$0x0] =	vst.idx.msk $0xffff, v5  }
0x46: {  	v3 =	vor.u32 $0xA, v4;
	v2 =	vld [tilespmem:s31+$0xA280]  }
0x47: {  	v7 =	vor.u32 $0xA, v6;
	v5 =	vld [tilespmem:s31+$0xA290];
	_ =	sdelay $0x3  }
0x48: {  	[tilespmem:v3+s15+$0x0] =	vst.idx.msk $0xffff, v2  }
0x49: {  	[tilespmem:v7+s15+$0x0] =	vst.idx.msk $0xffff, v5  }
0x4a: {  	v3 =	vor.u32 $0xB, v4;
	v2 =	vld [tilespmem:s31+$0xA8C0]  }
0x4b: {  	v7 =	vor.u32 $0xB, v6;
	v5 =	vld [tilespmem:s31+$0xA8D0];
	_ =	sdelay $0x3  }
0x4c: {  	[tilespmem:v3+s15+$0x0] =	vst.idx.msk $0xffff, v2  }
0x4d: {  	[tilespmem:v7+s15+$0x0] =	vst.idx.msk $0xffff, v5  }
0x4e: {  	v3 =	vor.u32 $0xC, v4;
	v2 =	vld [tilespmem:s31+$0xAF00]  }
0x4f: {  	v7 =	vor.u32 $0xC, v6;
	v5 =	vld [tilespmem:s31+$0xAF10];
	_ =	sdelay $0x3  }
0x50: {  	[tilespmem:v3+s15+$0x0] =	vst.idx.msk $0xffff, v2  }
0x51: {  	[tilespmem:v7+s15+$0x0] =	vst.idx.msk $0xffff, v5  }
0x52: {  	v3 =	vor.u32 $0xD, v4;
	v2 =	vld [tilespmem:s31+$0xB540]  }
0x53: {  	v7 =	vor.u32 $0xD, v6;
	v5 =	vld [tilespmem:s31+$0xB550];
	_ =	sdelay $0x3  }
0x54: {  	[tilespmem:v3+s15+$0x0] =	vst.idx.msk $0xffff, v2  }
0x55: {  	[tilespmem:v7+s15+$0x0] =	vst.idx.msk $0xffff, v5  }
0x56: {  	v3 =	vor.u32 $0xE, v4;
	v2 =	vld [tilespmem:s31+$0xBB80]  }
0x57: {  	v7 =	vor.u32 $0xE, v6;
	v5 =	vld [tilespmem:s31+$0xBB90];
	_ =	sdelay $0x3  }
0x58: {  	[tilespmem:v3+s15+$0x0] =	vst.idx.msk $0xffff, v2  }
0x59: {  	[tilespmem:v7+s15+$0x0] =	vst.idx.msk $0xffff, v5  }
0x5a: {  	v7 =	vor.u32 $0xF, v4;
	v5 =	vld [tilespmem:s31+$0xC1C0]  }
0x5b: {  	v3 =	vor.u32 $0xF, v6;
	v2 =	vld [tilespmem:s31+$0xC1D0];
	_ =	sdelay $0x2  }
0x5c: {  	s25 =	simm.s32 $0x20  }
0x5d: {  	s26 =	simm.s32 $0x100;
	s24 =	simm.s32 $0x20;
	v4 =	vmov s25;
	[tilespmem:v7+s15+$0x0] =	vst.idx.msk $0xffff, v5  }
.LBB2_3:
0x5e: {  	s28 =	sshra.s32 s26, $0x2;
	p1 =	sne.s32 s26, $0x1880;
	s26 =	sadd.s32 $0x80, s26;
	v4 =	vshll.u32 v4, $0x4;
	[tilespmem:v3+s15+$0x0] =	vst.idx.msk $0xffff, v2  }
0x5f: {  	v5 =	vld [tilespmem:s24+$0x6400];
	v2 =	vor.u32 v0, v4  }
0x60: {  	v3 =	vor.u32 v1, v4;
	v6 =	vld [tilespmem:s24+$0x6410];
	_ =	sdelay $0x3  }
0x61: {  	[tilespmem:v2+s15+$0x0] =	vst.idx.msk $0xffff, v5  }
0x62: {  	[tilespmem:v3+s15+$0x0] =	vst.idx.msk $0xffff, v6  }
0x63: {  	v5 =	vor.u32 $0x1, v2;
	v4 =	vld [tilespmem:s24+$0x6A40]  }
0x64: {  	v7 =	vor.u32 $0x1, v3;
	v6 =	vld [tilespmem:s24+$0x6A50];
	_ =	sdelay $0x3  }
0x65: {  	[tilespmem:v5+s15+$0x0] =	vst.idx.msk $0xffff, v4  }
0x66: {  	[tilespmem:v7+s15+$0x0] =	vst.idx.msk $0xffff, v6  }
0x67: {  	v5 =	vor.u32 $0x2, v2;
	v4 =	vld [tilespmem:s24+$0x7080]  }
0x68: {  	v7 =	vor.u32 $0x2, v3;
	v6 =	vld [tilespmem:s24+$0x7090];
	_ =	sdelay $0x3  }
0x69: {  	[tilespmem:v5+s15+$0x0] =	vst.idx.msk $0xffff, v4  }
0x6a: {  	[tilespmem:v7+s15+$0x0] =	vst.idx.msk $0xffff, v6  }
0x6b: {  	v5 =	vor.u32 $0x3, v2;
	v4 =	vld [tilespmem:s24+$0x76C0]  }
0x6c: {  	v7 =	vor.u32 $0x3, v3;
	v6 =	vld [tilespmem:s24+$0x76D0];
	_ =	sdelay $0x3  }
0x6d: {  	[tilespmem:v5+s15+$0x0] =	vst.idx.msk $0xffff, v4  }
0x6e: {  	[tilespmem:v7+s15+$0x0] =	vst.idx.msk $0xffff, v6  }
0x6f: {  	v5 =	vor.u32 $0x4, v2;
	v4 =	vld [tilespmem:s24+$0x7D00]  }
0x70: {  	v7 =	vor.u32 $0x4, v3;
	v6 =	vld [tilespmem:s24+$0x7D10];
	_ =	sdelay $0x3  }
0x71: {  	[tilespmem:v5+s15+$0x0] =	vst.idx.msk $0xffff, v4  }
0x72: {  	[tilespmem:v7+s15+$0x0] =	vst.idx.msk $0xffff, v6  }
0x73: {  	v5 =	vor.u32 $0x5, v2;
	v4 =	vld [tilespmem:s24+$0x8340]  }
0x74: {  	v7 =	vor.u32 $0x5, v3;
	v6 =	vld [tilespmem:s24+$0x8350];
	_ =	sdelay $0x3  }
0x75: {  	[tilespmem:v5+s15+$0x0] =	vst.idx.msk $0xffff, v4  }
0x76: {  	[tilespmem:v7+s15+$0x0] =	vst.idx.msk $0xffff, v6  }
0x77: {  	v5 =	vor.u32 $0x6, v2;
	v4 =	vld [tilespmem:s24+$0x8980]  }
0x78: {  	v7 =	vor.u32 $0x6, v3;
	v6 =	vld [tilespmem:s24+$0x8990];
	_ =	sdelay $0x3  }
0x79: {  	[tilespmem:v5+s15+$0x0] =	vst.idx.msk $0xffff, v4  }
0x7a: {  	[tilespmem:v7+s15+$0x0] =	vst.idx.msk $0xffff, v6  }
0x7b: {  	v5 =	vor.u32 $0x7, v2;
	v4 =	vld [tilespmem:s24+$0x8FC0]  }
0x7c: {  	v7 =	vor.u32 $0x7, v3;
	v6 =	vld [tilespmem:s24+$0x8FD0];
	_ =	sdelay $0x3  }
0x7d: {  	[tilespmem:v5+s15+$0x0] =	vst.idx.msk $0xffff, v4  }
0x7e: {  	[tilespmem:v7+s15+$0x0] =	vst.idx.msk $0xffff, v6  }
0x7f: {  	v5 =	vor.u32 $0x8, v2;
	v4 =	vld [tilespmem:s24+$0x9600]  }
0x80: {  	v7 =	vor.u32 $0x8, v3;
	v6 =	vld [tilespmem:s24+$0x9610];
	_ =	sdelay $0x3  }
0x81: {  	[tilespmem:v5+s15+$0x0] =	vst.idx.msk $0xffff, v4  }
0x82: {  	[tilespmem:v7+s15+$0x0] =	vst.idx.msk $0xffff, v6  }
0x83: {  	v5 =	vor.u32 $0x9, v2;
	v4 =	vld [tilespmem:s24+$0x9C40]  }
0x84: {  	v7 =	vor.u32 $0x9, v3;
	v6 =	vld [tilespmem:s24+$0x9C50];
	_ =	sdelay $0x3  }
0x85: {  	[tilespmem:v5+s15+$0x0] =	vst.idx.msk $0xffff, v4  }
0x86: {  	[tilespmem:v7+s15+$0x0] =	vst.idx.msk $0xffff, v6  }
0x87: {  	v5 =	vor.u32 $0xA, v2;
	v4 =	vld [tilespmem:s24+$0xA280]  }
0x88: {  	v7 =	vor.u32 $0xA, v3;
	v6 =	vld [tilespmem:s24+$0xA290];
	_ =	sdelay $0x3  }
0x89: {  	[tilespmem:v5+s15+$0x0] =	vst.idx.msk $0xffff, v4  }
0x8a: {  	[tilespmem:v7+s15+$0x0] =	vst.idx.msk $0xffff, v6  }
0x8b: {  	v5 =	vor.u32 $0xB, v2;
	v4 =	vld [tilespmem:s24+$0xA8C0]  }
0x8c: {  	v7 =	vor.u32 $0xB, v3;
	v6 =	vld [tilespmem:s24+$0xA8D0];
	_ =	sdelay $0x3  }
0x8d: {  	[tilespmem:v5+s15+$0x0] =	vst.idx.msk $0xffff, v4  }
0x8e: {  	[tilespmem:v7+s15+$0x0] =	vst.idx.msk $0xffff, v6  }
0x8f: {  	v5 =	vor.u32 $0xC, v2;
	v4 =	vld [tilespmem:s24+$0xAF00]  }
0x90: {  	v7 =	vor.u32 $0xC, v3;
	v6 =	vld [tilespmem:s24+$0xAF10];
	_ =	sdelay $0x3  }
0x91: {  	[tilespmem:v5+s15+$0x0] =	vst.idx.msk $0xffff, v4  }
0x92: {  	[tilespmem:v7+s15+$0x0] =	vst.idx.msk $0xffff, v6  }
0x93: {  	v5 =	vor.u32 $0xD, v2;
	v4 =	vld [tilespmem:s24+$0xB540]  }
0x94: {  	v7 =	vor.u32 $0xD, v3;
	v6 =	vld [tilespmem:s24+$0xB550];
	_ =	sdelay $0x3  }
0x95: {  	[tilespmem:v5+s15+$0x0] =	vst.idx.msk $0xffff, v4  }
0x96: {  	[tilespmem:v7+s15+$0x0] =	vst.idx.msk $0xffff, v6  }
0x97: {  	v5 =	vor.u32 $0xE, v2;
	v4 =	vld [tilespmem:s24+$0xBB80]  }
0x98: {  	v7 =	vor.u32 $0xE, v3;
	v6 =	vld [tilespmem:s24+$0xBB90];
	_ =	sdelay $0x3  }
0x99: {  	[tilespmem:v5+s15+$0x0] =	vst.idx.msk $0xffff, v4  }
0x9a: {  	[tilespmem:v7+s15+$0x0] =	vst.idx.msk $0xffff, v6  }
0x9b: {  	v6 =	vor.u32 $0xF, v2;
	v5 =	vld [tilespmem:s24+$0xC1C0]  }
.Ltmp0:
0x9c: {  	v3 =	vor.u32 $0xF, v3;
	v2 =	vld [tilespmem:s24+$0xC1D0];
	s24 =	smov.u32 s28;
	(pc) =	sbr.rel @p1 .LBB2_3-.Ltmp0, $3  }
0x9d: {  	_ =	sdelay $0x1  }
0x9e: {  	s25 =	sadd.s32 $0x20, s25  }
0x9f: {  	v4 =	vmov s25;
	[tilespmem:v6+s15+$0x0] =	vst.idx.msk $0xffff, v5  }
0xa0: {  	_ =	sdelay $0x3  }
0xa1: {  	v4 =	vshll.u32 v4, $0x4;
	[tilespmem:v3+s15+$0x0] =	vst.idx.msk $0xffff, v2  }
0xa2: {  	v2 =	vld [tilespmem:s24+$0x6400];
	v3 =	vor.u32 v0, v4  }
0xa3: {  	v5 =	vld [tilespmem:s24+$0x6410];
	v4 =	vor.u32 v1, v4;
	_ =	sdelay $0x3  }
0xa4: {  	[tilespmem:v3+s15+$0x0] =	vst.idx.msk $0xffff, v2  }
0xa5: {  	[tilespmem:v4+s15+$0x0] =	vst.idx.msk $0xffff, v5  }
0xa6: {  	v5 =	vor.u32 $0x1, v3;
	v2 =	vld [tilespmem:s24+$0x6A40]  }
0xa7: {  	v7 =	vor.u32 $0x1, v4;
	v6 =	vld [tilespmem:s24+$0x6A50];
	_ =	sdelay $0x3  }
0xa8: {  	[tilespmem:v5+s15+$0x0] =	vst.idx.msk $0xffff, v2  }
0xa9: {  	[tilespmem:v7+s15+$0x0] =	vst.idx.msk $0xffff, v6  }
0xaa: {  	v5 =	vor.u32 $0x2, v3;
	v2 =	vld [tilespmem:s24+$0x7080]  }
0xab: {  	v7 =	vor.u32 $0x2, v4;
	v6 =	vld [tilespmem:s24+$0x7090];
	_ =	sdelay $0x3  }
0xac: {  	[tilespmem:v5+s15+$0x0] =	vst.idx.msk $0xffff, v2  }
0xad: {  	[tilespmem:v7+s15+$0x0] =	vst.idx.msk $0xffff, v6  }
0xae: {  	v5 =	vor.u32 $0x3, v3;
	v2 =	vld [tilespmem:s24+$0x76C0]  }
0xaf: {  	v7 =	vor.u32 $0x3, v4;
	v6 =	vld [tilespmem:s24+$0x76D0];
	_ =	sdelay $0x3  }
0xb0: {  	[tilespmem:v5+s15+$0x0] =	vst.idx.msk $0xffff, v2  }
0xb1: {  	[tilespmem:v7+s15+$0x0] =	vst.idx.msk $0xffff, v6  }
0xb2: {  	v5 =	vor.u32 $0x4, v3;
	v2 =	vld [tilespmem:s24+$0x7D00]  }
0xb3: {  	v7 =	vor.u32 $0x4, v4;
	v6 =	vld [tilespmem:s24+$0x7D10];
	_ =	sdelay $0x3  }
0xb4: {  	[tilespmem:v5+s15+$0x0] =	vst.idx.msk $0xffff, v2  }
0xb5: {  	[tilespmem:v7+s15+$0x0] =	vst.idx.msk $0xffff, v6  }
0xb6: {  	v5 =	vor.u32 $0x5, v3;
	v2 =	vld [tilespmem:s24+$0x8340]  }
0xb7: {  	v7 =	vor.u32 $0x5, v4;
	v6 =	vld [tilespmem:s24+$0x8350];
	_ =	sdelay $0x3  }
0xb8: {  	[tilespmem:v5+s15+$0x0] =	vst.idx.msk $0xffff, v2  }
0xb9: {  	[tilespmem:v7+s15+$0x0] =	vst.idx.msk $0xffff, v6  }
0xba: {  	v5 =	vor.u32 $0x6, v3;
	v2 =	vld [tilespmem:s24+$0x8980]  }
0xbb: {  	v7 =	vor.u32 $0x6, v4;
	v6 =	vld [tilespmem:s24+$0x8990];
	_ =	sdelay $0x3  }
0xbc: {  	[tilespmem:v5+s15+$0x0] =	vst.idx.msk $0xffff, v2  }
0xbd: {  	[tilespmem:v7+s15+$0x0] =	vst.idx.msk $0xffff, v6  }
0xbe: {  	v5 =	vor.u32 $0x7, v3;
	v2 =	vld [tilespmem:s24+$0x8FC0]  }
0xbf: {  	v7 =	vor.u32 $0x7, v4;
	v6 =	vld [tilespmem:s24+$0x8FD0];
	_ =	sdelay $0x3  }
0xc0: {  	[tilespmem:v5+s15+$0x0] =	vst.idx.msk $0xffff, v2  }
0xc1: {  	[tilespmem:v7+s15+$0x0] =	vst.idx.msk $0xffff, v6  }
0xc2: {  	v5 =	vor.u32 $0x8, v3;
	v2 =	vld [tilespmem:s24+$0x9600]  }
0xc3: {  	v7 =	vor.u32 $0x8, v4;
	v6 =	vld [tilespmem:s24+$0x9610];
	_ =	sdelay $0x3  }
0xc4: {  	[tilespmem:v5+s15+$0x0] =	vst.idx.msk $0xffff, v2  }
0xc5: {  	[tilespmem:v7+s15+$0x0] =	vst.idx.msk $0xffff, v6  }
0xc6: {  	v5 =	vor.u32 $0x9, v3;
	v2 =	vld [tilespmem:s24+$0x9C40]  }
0xc7: {  	v7 =	vor.u32 $0x9, v4;
	v6 =	vld [tilespmem:s24+$0x9C50];
	_ =	sdelay $0x3  }
0xc8: {  	[tilespmem:v5+s15+$0x0] =	vst.idx.msk $0xffff, v2  }
0xc9: {  	[tilespmem:v7+s15+$0x0] =	vst.idx.msk $0xffff, v6  }
0xca: {  	v5 =	vor.u32 $0xA, v3;
	v2 =	vld [tilespmem:s24+$0xA280]  }
0xcb: {  	v7 =	vor.u32 $0xA, v4;
	v6 =	vld [tilespmem:s24+$0xA290];
	_ =	sdelay $0x3  }
0xcc: {  	[tilespmem:v5+s15+$0x0] =	vst.idx.msk $0xffff, v2  }
0xcd: {  	[tilespmem:v7+s15+$0x0] =	vst.idx.msk $0xffff, v6  }
0xce: {  	v5 =	vor.u32 $0xB, v3;
	v2 =	vld [tilespmem:s24+$0xA8C0]  }
0xcf: {  	v7 =	vor.u32 $0xB, v4;
	v6 =	vld [tilespmem:s24+$0xA8D0];
	_ =	sdelay $0x3  }
0xd0: {  	[tilespmem:v5+s15+$0x0] =	vst.idx.msk $0xffff, v2  }
0xd1: {  	[tilespmem:v7+s15+$0x0] =	vst.idx.msk $0xffff, v6  }
0xd2: {  	v5 =	vor.u32 $0xC, v3;
	v2 =	vld [tilespmem:s24+$0xAF00]  }
0xd3: {  	v7 =	vor.u32 $0xC, v4;
	v6 =	vld [tilespmem:s24+$0xAF10];
	_ =	sdelay $0x3  }
0xd4: {  	[tilespmem:v5+s15+$0x0] =	vst.idx.msk $0xffff, v2  }
0xd5: {  	[tilespmem:v7+s15+$0x0] =	vst.idx.msk $0xffff, v6  }
0xd6: {  	v5 =	vor.u32 $0xD, v3;
	v2 =	vld [tilespmem:s24+$0xB540]  }
0xd7: {  	v7 =	vor.u32 $0xD, v4;
	v6 =	vld [tilespmem:s24+$0xB550];
	_ =	sdelay $0x3  }
0xd8: {  	[tilespmem:v5+s15+$0x0] =	vst.idx.msk $0xffff, v2  }
0xd9: {  	[tilespmem:v7+s15+$0x0] =	vst.idx.msk $0xffff, v6  }
0xda: {  	v5 =	vor.u32 $0xE, v3;
	v2 =	vld [tilespmem:s24+$0xBB80]  }
0xdb: {  	v7 =	vor.u32 $0xE, v4;
	v6 =	vld [tilespmem:s24+$0xBB90];
	_ =	sdelay $0x3  }
0xdc: {  	[tilespmem:v5+s15+$0x0] =	vst.idx.msk $0xffff, v2  }
0xdd: {  	[tilespmem:v7+s15+$0x0] =	vst.idx.msk $0xffff, v6  }
0xde: {  	v3 =	vor.u32 $0xF, v3;
	v2 =	vld [tilespmem:s24+$0xC1C0]  }
0xdf: {  	v4 =	vor.u32 $0xF, v4;
	v5 =	vld [tilespmem:s24+$0xC1D0];
	_ =	sdelay $0x1  }
0xe0: {  	s25 =	smul.u32 $0x1900, s23;
	_ =	sdelay $0x1  }
0xe1: {  	s24 =	sshra.s32 s25, $0x2;
	[tilespmem:v3+s15+$0x0] =	vst.idx.msk $0xffff, v2  }
0xe2: {  	s26 =	sshll.u32 s23, $0x5;
	s25 =	sadd.s32 $0x640, s24;
	[tilespmem:v4+s15+$0x0] =	vst.idx.msk $0xffff, v5  }
0xe3: {  	[tilespmem:s12], [sflag:$0x1] =	stream.indirect.gather [hbm4b:s4+s11], $0x20, s25, s11, $0xb8;
	[tilespmem:$0x1F400] =	vst v63  }
0xe4: {  	s25 =	sor.u32 s5, s26  }
0xe5: {  	s25 =	sshrl.u32 s25, $0x3  }
0xe6: {  	s26 =	sadd.s32 s3, s25  }
0xe7: {  	[hbm4b:s26+s16] =	stream.strided.scatter [tilespmem:s15], [sflag:$0x3], $0x6400, s17, s16, $0x38;
	[tilespmem:$0x1F400] =	vst v63  }
0xe8: {  	s26 =	simm.s32 @!p0 $0x4  }
0xe9: {  	_ =	swait.ge @!p0 [sflag:s26], $0x6400  }
0xea: {  	[sflag:s26] =	ssyncset.done @!p0 $0x0  }
0xeb: {  	[sflag:s26] =	ssyncadd.s32 @!p0 $0xFFFF9C00  }
0xec: {  	s30 =	simm.s32 $0x0;
	_ =	swait.ge [sflag:s18], $0x6400  }
0xed: {  	v2 =	vmov s30;
	[sflag:s18] =	ssyncset.done $0x0  }
0xee: {  	s31 =	simm.s32 $0x0;
	v2 =	vshll.u32 v2, $0x4;
	[sflag:s18] =	ssyncadd.s32 $0xFFFF9C00  }
0xef: {  	v4 =	vor.u32 v0, v2;
	v3 =	vld [tilespmem:s31+$0xC800]  }
0xf0: {  	v6 =	vor.u32 v1, v2;
	v5 =	vld [tilespmem:s31+$0xC810];
	_ =	sdelay $0x3  }
0xf1: {  	[tilespmem:v4+s19+$0x0] =	vst.idx.msk $0xffff, v3  }
0xf2: {  	[tilespmem:v6+s19+$0x0] =	vst.idx.msk $0xffff, v5  }
0xf3: {  	v3 =	vor.u32 $0x1, v4;
	v2 =	vld [tilespmem:s31+$0xCE40]  }
0xf4: {  	v7 =	vor.u32 $0x1, v6;
	v5 =	vld [tilespmem:s31+$0xCE50];
	_ =	sdelay $0x3  }
0xf5: {  	[tilespmem:v3+s19+$0x0] =	vst.idx.msk $0xffff, v2  }
0xf6: {  	[tilespmem:v7+s19+$0x0] =	vst.idx.msk $0xffff, v5  }
0xf7: {  	v3 =	vor.u32 $0x2, v4;
	v2 =	vld [tilespmem:s31+$0xD480]  }
0xf8: {  	v7 =	vor.u32 $0x2, v6;
	v5 =	vld [tilespmem:s31+$0xD490];
	_ =	sdelay $0x3  }
0xf9: {  	[tilespmem:v3+s19+$0x0] =	vst.idx.msk $0xffff, v2  }
0xfa: {  	[tilespmem:v7+s19+$0x0] =	vst.idx.msk $0xffff, v5  }
0xfb: {  	v3 =	vor.u32 $0x3, v4;
	v2 =	vld [tilespmem:s31+$0xDAC0]  }
0xfc: {  	v7 =	vor.u32 $0x3, v6;
	v5 =	vld [tilespmem:s31+$0xDAD0];
	_ =	sdelay $0x3  }
0xfd: {  	[tilespmem:v3+s19+$0x0] =	vst.idx.msk $0xffff, v2  }
0xfe: {  	[tilespmem:v7+s19+$0x0] =	vst.idx.msk $0xffff, v5  }
0xff: {  	v3 =	vor.u32 $0x4, v4;
	v2 =	vld [tilespmem:s31+$0xE100]  }
0x100: {  	v7 =	vor.u32 $0x4, v6;
	v5 =	vld [tilespmem:s31+$0xE110];
	_ =	sdelay $0x3  }
0x101: {  	[tilespmem:v3+s19+$0x0] =	vst.idx.msk $0xffff, v2  }
0x102: {  	[tilespmem:v7+s19+$0x0] =	vst.idx.msk $0xffff, v5  }
0x103: {  	v3 =	vor.u32 $0x5, v4;
	v2 =	vld [tilespmem:s31+$0xE740]  }
0x104: {  	v7 =	vor.u32 $0x5, v6;
	v5 =	vld [tilespmem:s31+$0xE750];
	_ =	sdelay $0x3  }
0x105: {  	[tilespmem:v3+s19+$0x0] =	vst.idx.msk $0xffff, v2  }
0x106: {  	[tilespmem:v7+s19+$0x0] =	vst.idx.msk $0xffff, v5  }
0x107: {  	v3 =	vor.u32 $0x6, v4;
	v2 =	vld [tilespmem:s31+$0xED80]  }
0x108: {  	v7 =	vor.u32 $0x6, v6;
	v5 =	vld [tilespmem:s31+$0xED90];
	_ =	sdelay $0x3  }
0x109: {  	[tilespmem:v3+s19+$0x0] =	vst.idx.msk $0xffff, v2  }
0x10a: {  	[tilespmem:v7+s19+$0x0] =	vst.idx.msk $0xffff, v5  }
0x10b: {  	v3 =	vor.u32 $0x7, v4;
	v2 =	vld [tilespmem:s31+$0xF3C0]  }
0x10c: {  	v7 =	vor.u32 $0x7, v6;
	v5 =	vld [tilespmem:s31+$0xF3D0];
	_ =	sdelay $0x3  }
0x10d: {  	[tilespmem:v3+s19+$0x0] =	vst.idx.msk $0xffff, v2  }
0x10e: {  	[tilespmem:v7+s19+$0x0] =	vst.idx.msk $0xffff, v5  }
0x10f: {  	v3 =	vor.u32 $0x8, v4;
	v2 =	vld [tilespmem:s31+$0xFA00]  }
0x110: {  	v7 =	vor.u32 $0x8, v6;
	v5 =	vld [tilespmem:s31+$0xFA10];
	_ =	sdelay $0x3  }
0x111: {  	[tilespmem:v3+s19+$0x0] =	vst.idx.msk $0xffff, v2  }
0x112: {  	[tilespmem:v7+s19+$0x0] =	vst.idx.msk $0xffff, v5  }
0x113: {  	v3 =	vor.u32 $0x9, v4;
	v2 =	vld [tilespmem:s31+$0x10040]  }
0x114: {  	v7 =	vor.u32 $0x9, v6;
	v5 =	vld [tilespmem:s31+$0x10050];
	_ =	sdelay $0x3  }
0x115: {  	[tilespmem:v3+s19+$0x0] =	vst.idx.msk $0xffff, v2  }
0x116: {  	[tilespmem:v7+s19+$0x0] =	vst.idx.msk $0xffff, v5  }
0x117: {  	v3 =	vor.u32 $0xA, v4;
	v2 =	vld [tilespmem:s31+$0x10680]  }
0x118: {  	v7 =	vor.u32 $0xA, v6;
	v5 =	vld [tilespmem:s31+$0x10690];
	_ =	sdelay $0x3  }
0x119: {  	[tilespmem:v3+s19+$0x0] =	vst.idx.msk $0xffff, v2  }
0x11a: {  	[tilespmem:v7+s19+$0x0] =	vst.idx.msk $0xffff, v5  }
0x11b: {  	v3 =	vor.u32 $0xB, v4;
	v2 =	vld [tilespmem:s31+$0x10CC0]  }
0x11c: {  	v7 =	vor.u32 $0xB, v6;
	v5 =	vld [tilespmem:s31+$0x10CD0];
	_ =	sdelay $0x3  }
0x11d: {  	[tilespmem:v3+s19+$0x0] =	vst.idx.msk $0xffff, v2  }
0x11e: {  	[tilespmem:v7+s19+$0x0] =	vst.idx.msk $0xffff, v5  }
0x11f: {  	v3 =	vor.u32 $0xC, v4;
	v2 =	vld [tilespmem:s31+$0x11300]  }
0x120: {  	v7 =	vor.u32 $0xC, v6;
	v5 =	vld [tilespmem:s31+$0x11310];
	_ =	sdelay $0x3  }
0x121: {  	[tilespmem:v3+s19+$0x0] =	vst.idx.msk $0xffff, v2  }
0x122: {  	[tilespmem:v7+s19+$0x0] =	vst.idx.msk $0xffff, v5  }
0x123: {  	v3 =	vor.u32 $0xD, v4;
	v2 =	vld [tilespmem:s31+$0x11940]  }
0x124: {  	v7 =	vor.u32 $0xD, v6;
	v5 =	vld [tilespmem:s31+$0x11950];
	_ =	sdelay $0x3  }
0x125: {  	[tilespmem:v3+s19+$0x0] =	vst.idx.msk $0xffff, v2  }
0x126: {  	[tilespmem:v7+s19+$0x0] =	vst.idx.msk $0xffff, v5  }
0x127: {  	v3 =	vor.u32 $0xE, v4;
	v2 =	vld [tilespmem:s31+$0x11F80]  }
0x128: {  	v7 =	vor.u32 $0xE, v6;
	v5 =	vld [tilespmem:s31+$0x11F90];
	_ =	sdelay $0x3  }
0x129: {  	[tilespmem:v3+s19+$0x0] =	vst.idx.msk $0xffff, v2  }
0x12a: {  	[tilespmem:v7+s19+$0x0] =	vst.idx.msk $0xffff, v5  }
0x12b: {  	v7 =	vor.u32 $0xF, v4;
	v5 =	vld [tilespmem:s31+$0x125C0]  }
0x12c: {  	v3 =	vor.u32 $0xF, v6;
	v2 =	vld [tilespmem:s31+$0x125D0];
	_ =	sdelay $0x2  }
0x12d: {  	s28 =	simm.s32 $0x20  }
0x12e: {  	s29 =	simm.s32 $0x100;
	s26 =	simm.s32 $0x20;
	v4 =	vmov s28;
	[tilespmem:v7+s19+$0x0] =	vst.idx.msk $0xffff, v5  }
.LBB2_5:
0x12f: {  	s30 =	sshra.s32 s29, $0x2;
	p0 =	sne.s32 s29, $0x1880;
	s29 =	sadd.s32 $0x80, s29;
	v4 =	vshll.u32 v4, $0x4;
	[tilespmem:v3+s19+$0x0] =	vst.idx.msk $0xffff, v2  }
0x130: {  	v5 =	vld [tilespmem:s26+$0xC800];
	v2 =	vor.u32 v0, v4  }
0x131: {  	v3 =	vor.u32 v1, v4;
	v6 =	vld [tilespmem:s26+$0xC810];
	_ =	sdelay $0x3  }
0x132: {  	[tilespmem:v2+s19+$0x0] =	vst.idx.msk $0xffff, v5  }
0x133: {  	[tilespmem:v3+s19+$0x0] =	vst.idx.msk $0xffff, v6  }
0x134: {  	v5 =	vor.u32 $0x1, v2;
	v4 =	vld [tilespmem:s26+$0xCE40]  }
0x135: {  	v7 =	vor.u32 $0x1, v3;
	v6 =	vld [tilespmem:s26+$0xCE50];
	_ =	sdelay $0x3  }
0x136: {  	[tilespmem:v5+s19+$0x0] =	vst.idx.msk $0xffff, v4  }
0x137: {  	[tilespmem:v7+s19+$0x0] =	vst.idx.msk $0xffff, v6  }
0x138: {  	v5 =	vor.u32 $0x2, v2;
	v4 =	vld [tilespmem:s26+$0xD480]  }
0x139: {  	v7 =	vor.u32 $0x2, v3;
	v6 =	vld [tilespmem:s26+$0xD490];
	_ =	sdelay $0x3  }
0x13a: {  	[tilespmem:v5+s19+$0x0] =	vst.idx.msk $0xffff, v4  }
0x13b: {  	[tilespmem:v7+s19+$0x0] =	vst.idx.msk $0xffff, v6  }
0x13c: {  	v5 =	vor.u32 $0x3, v2;
	v4 =	vld [tilespmem:s26+$0xDAC0]  }
0x13d: {  	v7 =	vor.u32 $0x3, v3;
	v6 =	vld [tilespmem:s26+$0xDAD0];
	_ =	sdelay $0x3  }
0x13e: {  	[tilespmem:v5+s19+$0x0] =	vst.idx.msk $0xffff, v4  }
0x13f: {  	[tilespmem:v7+s19+$0x0] =	vst.idx.msk $0xffff, v6  }
0x140: {  	v5 =	vor.u32 $0x4, v2;
	v4 =	vld [tilespmem:s26+$0xE100]  }
0x141: {  	v7 =	vor.u32 $0x4, v3;
	v6 =	vld [tilespmem:s26+$0xE110];
	_ =	sdelay $0x3  }
0x142: {  	[tilespmem:v5+s19+$0x0] =	vst.idx.msk $0xffff, v4  }
0x143: {  	[tilespmem:v7+s19+$0x0] =	vst.idx.msk $0xffff, v6  }
0x144: {  	v5 =	vor.u32 $0x5, v2;
	v4 =	vld [tilespmem:s26+$0xE740]  }
0x145: {  	v7 =	vor.u32 $0x5, v3;
	v6 =	vld [tilespmem:s26+$0xE750];
	_ =	sdelay $0x3  }
0x146: {  	[tilespmem:v5+s19+$0x0] =	vst.idx.msk $0xffff, v4  }
0x147: {  	[tilespmem:v7+s19+$0x0] =	vst.idx.msk $0xffff, v6  }
0x148: {  	v5 =	vor.u32 $0x6, v2;
	v4 =	vld [tilespmem:s26+$0xED80]  }
0x149: {  	v7 =	vor.u32 $0x6, v3;
	v6 =	vld [tilespmem:s26+$0xED90];
	_ =	sdelay $0x3  }
0x14a: {  	[tilespmem:v5+s19+$0x0] =	vst.idx.msk $0xffff, v4  }
0x14b: {  	[tilespmem:v7+s19+$0x0] =	vst.idx.msk $0xffff, v6  }
0x14c: {  	v5 =	vor.u32 $0x7, v2;
	v4 =	vld [tilespmem:s26+$0xF3C0]  }
0x14d: {  	v7 =	vor.u32 $0x7, v3;
	v6 =	vld [tilespmem:s26+$0xF3D0];
	_ =	sdelay $0x3  }
0x14e: {  	[tilespmem:v5+s19+$0x0] =	vst.idx.msk $0xffff, v4  }
0x14f: {  	[tilespmem:v7+s19+$0x0] =	vst.idx.msk $0xffff, v6  }
0x150: {  	v5 =	vor.u32 $0x8, v2;
	v4 =	vld [tilespmem:s26+$0xFA00]  }
0x151: {  	v7 =	vor.u32 $0x8, v3;
	v6 =	vld [tilespmem:s26+$0xFA10];
	_ =	sdelay $0x3  }
0x152: {  	[tilespmem:v5+s19+$0x0] =	vst.idx.msk $0xffff, v4  }
0x153: {  	[tilespmem:v7+s19+$0x0] =	vst.idx.msk $0xffff, v6  }
0x154: {  	v5 =	vor.u32 $0x9, v2;
	v4 =	vld [tilespmem:s26+$0x10040]  }
0x155: {  	v7 =	vor.u32 $0x9, v3;
	v6 =	vld [tilespmem:s26+$0x10050];
	_ =	sdelay $0x3  }
0x156: {  	[tilespmem:v5+s19+$0x0] =	vst.idx.msk $0xffff, v4  }
0x157: {  	[tilespmem:v7+s19+$0x0] =	vst.idx.msk $0xffff, v6  }
0x158: {  	v5 =	vor.u32 $0xA, v2;
	v4 =	vld [tilespmem:s26+$0x10680]  }
0x159: {  	v7 =	vor.u32 $0xA, v3;
	v6 =	vld [tilespmem:s26+$0x10690];
	_ =	sdelay $0x3  }
0x15a: {  	[tilespmem:v5+s19+$0x0] =	vst.idx.msk $0xffff, v4  }
0x15b: {  	[tilespmem:v7+s19+$0x0] =	vst.idx.msk $0xffff, v6  }
0x15c: {  	v5 =	vor.u32 $0xB, v2;
	v4 =	vld [tilespmem:s26+$0x10CC0]  }
0x15d: {  	v7 =	vor.u32 $0xB, v3;
	v6 =	vld [tilespmem:s26+$0x10CD0];
	_ =	sdelay $0x3  }
0x15e: {  	[tilespmem:v5+s19+$0x0] =	vst.idx.msk $0xffff, v4  }
0x15f: {  	[tilespmem:v7+s19+$0x0] =	vst.idx.msk $0xffff, v6  }
0x160: {  	v5 =	vor.u32 $0xC, v2;
	v4 =	vld [tilespmem:s26+$0x11300]  }
0x161: {  	v7 =	vor.u32 $0xC, v3;
	v6 =	vld [tilespmem:s26+$0x11310];
	_ =	sdelay $0x3  }
0x162: {  	[tilespmem:v5+s19+$0x0] =	vst.idx.msk $0xffff, v4  }
0x163: {  	[tilespmem:v7+s19+$0x0] =	vst.idx.msk $0xffff, v6  }
0x164: {  	v5 =	vor.u32 $0xD, v2;
	v4 =	vld [tilespmem:s26+$0x11940]  }
0x165: {  	v7 =	vor.u32 $0xD, v3;
	v6 =	vld [tilespmem:s26+$0x11950];
	_ =	sdelay $0x3  }
0x166: {  	[tilespmem:v5+s19+$0x0] =	vst.idx.msk $0xffff, v4  }
0x167: {  	[tilespmem:v7+s19+$0x0] =	vst.idx.msk $0xffff, v6  }
0x168: {  	v5 =	vor.u32 $0xE, v2;
	v4 =	vld [tilespmem:s26+$0x11F80]  }
0x169: {  	v7 =	vor.u32 $0xE, v3;
	v6 =	vld [tilespmem:s26+$0x11F90];
	_ =	sdelay $0x3  }
0x16a: {  	[tilespmem:v5+s19+$0x0] =	vst.idx.msk $0xffff, v4  }
0x16b: {  	[tilespmem:v7+s19+$0x0] =	vst.idx.msk $0xffff, v6  }
0x16c: {  	v6 =	vor.u32 $0xF, v2;
	v5 =	vld [tilespmem:s26+$0x125C0]  }
.Ltmp1:
0x16d: {  	v3 =	vor.u32 $0xF, v3;
	v2 =	vld [tilespmem:s26+$0x125D0];
	s26 =	smov.u32 s30;
	(pc) =	sbr.rel @p0 .LBB2_5-.Ltmp1, $3  }
0x16e: {  	_ =	sdelay $0x1  }
0x16f: {  	s28 =	sadd.s32 $0x20, s28  }
0x170: {  	v4 =	vmov s28;
	[tilespmem:v6+s19+$0x0] =	vst.idx.msk $0xffff, v5  }
0x171: {  	_ =	sdelay $0x3  }
0x172: {  	v4 =	vshll.u32 v4, $0x4;
	[tilespmem:v3+s19+$0x0] =	vst.idx.msk $0xffff, v2  }
0x173: {  	v2 =	vld [tilespmem:s26+$0xC800];
	v3 =	vor.u32 v0, v4  }
0x174: {  	v5 =	vld [tilespmem:s26+$0xC810];
	v4 =	vor.u32 v1, v4;
	_ =	sdelay $0x3  }
0x175: {  	[tilespmem:v3+s19+$0x0] =	vst.idx.msk $0xffff, v2  }
0x176: {  	[tilespmem:v4+s19+$0x0] =	vst.idx.msk $0xffff, v5  }
0x177: {  	v37 =	vor.u32 $0x1, v3;
	v2 =	vld [tilespmem:s26+$0xCE40]  }
0x178: {  	v7 =	vor.u32 $0x1, v4;
	v6 =	vld [tilespmem:s26+$0xCE50];
	_ =	sdelay $0x3  }
0x179: {  	[tilespmem:v37+s19+$0x0] =	vst.idx.msk $0xffff, v2  }
0x17a: {  	[tilespmem:v7+s19+$0x0] =	vst.idx.msk $0xffff, v6  }
0x17b: {  	v38 =	vor.u32 $0x2, v3;
	v2 =	vld [tilespmem:s26+$0xD480]  }
0x17c: {  	v39 =	vor.u32 $0x2, v4;
	v6 =	vld [tilespmem:s26+$0xD490];
	_ =	sdelay $0x3  }
0x17d: {  	[tilespmem:v38+s19+$0x0] =	vst.idx.msk $0xffff, v2  }
0x17e: {  	[tilespmem:v39+s19+$0x0] =	vst.idx.msk $0xffff, v6  }
0x17f: {  	v40 =	vor.u32 $0x3, v3;
	v2 =	vld [tilespmem:s26+$0xDAC0]  }
0x180: {  	v41 =	vor.u32 $0x3, v4;
	v6 =	vld [tilespmem:s26+$0xDAD0];
	_ =	sdelay $0x3  }
0x181: {  	[tilespmem:v40+s19+$0x0] =	vst.idx.msk $0xffff, v2  }
0x182: {  	[tilespmem:v41+s19+$0x0] =	vst.idx.msk $0xffff, v6  }
0x183: {  	v42 =	vor.u32 $0x4, v3;
	v2 =	vld [tilespmem:s26+$0xE100]  }
0x184: {  	v43 =	vor.u32 $0x4, v4;
	v6 =	vld [tilespmem:s26+$0xE110];
	_ =	sdelay $0x3  }
0x185: {  	[tilespmem:v42+s19+$0x0] =	vst.idx.msk $0xffff, v2  }
0x186: {  	[tilespmem:v43+s19+$0x0] =	vst.idx.msk $0xffff, v6  }
0x187: {  	v44 =	vor.u32 $0x5, v3;
	v2 =	vld [tilespmem:s26+$0xE740]  }
0x188: {  	v45 =	vor.u32 $0x5, v4;
	v6 =	vld [tilespmem:s26+$0xE750];
	_ =	sdelay $0x3  }
0x189: {  	[tilespmem:v44+s19+$0x0] =	vst.idx.msk $0xffff, v2  }
0x18a: {  	[tilespmem:v45+s19+$0x0] =	vst.idx.msk $0xffff, v6  }
0x18b: {  	v46 =	vor.u32 $0x6, v3;
	v2 =	vld [tilespmem:s26+$0xED80]  }
0x18c: {  	v47 =	vor.u32 $0x6, v4;
	v6 =	vld [tilespmem:s26+$0xED90];
	_ =	sdelay $0x3  }
0x18d: {  	[tilespmem:v46+s19+$0x0] =	vst.idx.msk $0xffff, v2  }
0x18e: {  	[tilespmem:v47+s19+$0x0] =	vst.idx.msk $0xffff, v6  }
0x18f: {  	v48 =	vor.u32 $0x7, v3;
	v2 =	vld [tilespmem:s26+$0xF3C0]  }
0x190: {  	v49 =	vor.u32 $0x7, v4;
	v6 =	vld [tilespmem:s26+$0xF3D0];
	_ =	sdelay $0x3  }
0x191: {  	[tilespmem:v48+s19+$0x0] =	vst.idx.msk $0xffff, v2  }
0x192: {  	[tilespmem:v49+s19+$0x0] =	vst.idx.msk $0xffff, v6  }
0x193: {  	v50 =	vor.u32 $0x8, v3;
	v2 =	vld [tilespmem:s26+$0xFA00]  }
0x194: {  	v51 =	vor.u32 $0x8, v4;
	v6 =	vld [tilespmem:s26+$0xFA10];
	_ =	sdelay $0x3  }
0x195: {  	[tilespmem:v50+s19+$0x0] =	vst.idx.msk $0xffff, v2  }
0x196: {  	[tilespmem:v51+s19+$0x0] =	vst.idx.msk $0xffff, v6  }
0x197: {  	v52 =	vor.u32 $0x9, v3;
	v2 =	vld [tilespmem:s26+$0x10040]  }
0x198: {  	v53 =	vor.u32 $0x9, v4;
	v6 =	vld [tilespmem:s26+$0x10050];
	_ =	sdelay $0x3  }
0x199: {  	[tilespmem:v52+s19+$0x0] =	vst.idx.msk $0xffff, v2  }
0x19a: {  	[tilespmem:v53+s19+$0x0] =	vst.idx.msk $0xffff, v6  }
0x19b: {  	v54 =	vor.u32 $0xA, v3;
	v2 =	vld [tilespmem:s26+$0x10680]  }
0x19c: {  	v55 =	vor.u32 $0xA, v4;
	v6 =	vld [tilespmem:s26+$0x10690];
	_ =	sdelay $0x3  }
0x19d: {  	[tilespmem:v54+s19+$0x0] =	vst.idx.msk $0xffff, v2  }
0x19e: {  	[tilespmem:v55+s19+$0x0] =	vst.idx.msk $0xffff, v6  }
0x19f: {  	v56 =	vor.u32 $0xB, v3;
	v2 =	vld [tilespmem:s26+$0x10CC0]  }
0x1a0: {  	v57 =	vor.u32 $0xB, v4;
	v6 =	vld [tilespmem:s26+$0x10CD0];
	_ =	sdelay $0x3  }
0x1a1: {  	[tilespmem:v56+s19+$0x0] =	vst.idx.msk $0xffff, v2  }
0x1a2: {  	[tilespmem:v57+s19+$0x0] =	vst.idx.msk $0xffff, v6  }
0x1a3: {  	v58 =	vor.u32 $0xC, v3;
	v2 =	vld [tilespmem:s26+$0x11300]  }
0x1a4: {  	v59 =	vor.u32 $0xC, v4;
	v6 =	vld [tilespmem:s26+$0x11310];
	_ =	sdelay $0x3  }
0x1a5: {  	[tilespmem:v58+s19+$0x0] =	vst.idx.msk $0xffff, v2  }
0x1a6: {  	[tilespmem:v59+s19+$0x0] =	vst.idx.msk $0xffff, v6  }
0x1a7: {  	v60 =	vor.u32 $0xD, v3;
	v2 =	vld [tilespmem:s26+$0x11940]  }
0x1a8: {  	v61 =	vor.u32 $0xD, v4;
	v6 =	vld [tilespmem:s26+$0x11950];
	_ =	sdelay $0x3  }
0x1a9: {  	[tilespmem:v60+s19+$0x0] =	vst.idx.msk $0xffff, v2  }
0x1aa: {  	[tilespmem:v61+s19+$0x0] =	vst.idx.msk $0xffff, v6  }
0x1ab: {  	v62 =	vor.u32 $0xE, v3;
	v2 =	vld [tilespmem:s26+$0x11F80]  }
0x1ac: {  	v63 =	vor.u32 $0xE, v4;
	v6 =	vld [tilespmem:s26+$0x11F90];
	_ =	sdelay $0x3  }
0x1ad: {  	[tilespmem:v62+s19+$0x0] =	vst.idx.msk $0xffff, v2  }
0x1ae: {  	[tilespmem:v63+s19+$0x0] =	vst.idx.msk $0xffff, v6  }
0x1af: {  	v3 =	vor.u32 $0xF, v3;
	v2 =	vld [tilespmem:s26+$0x125C0]  }
0x1b0: {  	v4 =	vor.u32 $0xF, v4;
	v5 =	vld [tilespmem:s26+$0x125D0];
	_ =	sdelay $0x1  }
0x1b1: {  	s23 =	sadd.s32 $0x1, s23  }
0x1b2: {  	p0 =	sne.s32 s23, $0xF  }
.Ltmp2:
0x1b3: {  	[tilespmem:v3+s19+$0x0] =	vst.idx.msk $0xffff, v2;
	(pc) =	sbr.rel @p0 .LBB2_2-.Ltmp2, $4  }
0x1b4: {  	s24 =	sadd.s32 $0x960, s24;
	s31 =	sadd.s32 s25, s3;
	[tilespmem:v4+s19+$0x0] =	vst.idx.msk $0xffff, v5  }
0x1b5: {  	[tilespmem:s13], [sflag:$0x2] =	stream.indirect.gather [hbm4b:s4+s11], $0x20, s24, s11, $0xb8;
	[tilespmem:$0x1F400] =	vst v63  }
0x1b6: {  	s24 =	sadd.s32 $0x2, s31  }
0x1b7: {  	[hbm4b:s24+s16] =	stream.strided.scatter [tilespmem:s19], [sflag:$0x4], $0x6400, s17, s16, $0x38;
	[tilespmem:$0x1F400] =	vst v63  }
0x1b8: {  	_ =	swait.ge [sflag:s20], $0x6400  }
0x1b9: {  	[sflag:s20] =	ssyncset.done $0x0  }
0x1ba: {  	[sflag:s20] =	ssyncadd.s32 $0xFFFF9C00  }
0x1bb: {  	s23 =	simm.s32 $0x0;
	_ =	swait.ge [sflag:s14], $0x6400  }
0x1bc: {  	v2 =	vmov s23;
	[sflag:s14] =	ssyncset.done $0x0  }
0x1bd: {  	s31 =	simm.s32 $0x0;
	v2 =	vshll.u32 v2, $0x4;
	[sflag:s14] =	ssyncadd.s32 $0xFFFF9C00  }
0x1be: {  	v4 =	vor.u32 v0, v2;
	v3 =	vld [tilespmem:s31+$0x6400]  }
0x1bf: {  	v6 =	vor.u32 v1, v2;
	v5 =	vld [tilespmem:s31+$0x6410];
	_ =	sdelay $0x3  }
0x1c0: {  	[tilespmem:v4+s15+$0x0] =	vst.idx.msk $0xffff, v3  }
0x1c1: {  	[tilespmem:v6+s15+$0x0] =	vst.idx.msk $0xffff, v5  }
0x1c2: {  	v3 =	vor.u32 $0x1, v4;
	v2 =	vld [tilespmem:s31+$0x6A40]  }
0x1c3: {  	v7 =	vor.u32 $0x1, v6;
	v5 =	vld [tilespmem:s31+$0x6A50];
	_ =	sdelay $0x3  }
0x1c4: {  	[tilespmem:v3+s15+$0x0] =	vst.idx.msk $0xffff, v2  }
0x1c5: {  	[tilespmem:v7+s15+$0x0] =	vst.idx.msk $0xffff, v5  }
0x1c6: {  	v3 =	vor.u32 $0x2, v4;
	v2 =	vld [tilespmem:s31+$0x7080]  }
0x1c7: {  	v7 =	vor.u32 $0x2, v6;
	v5 =	vld [tilespmem:s31+$0x7090];
	_ =	sdelay $0x3  }
0x1c8: {  	[tilespmem:v3+s15+$0x0] =	vst.idx.msk $0xffff, v2  }
0x1c9: {  	[tilespmem:v7+s15+$0x0] =	vst.idx.msk $0xffff, v5  }
0x1ca: {  	v3 =	vor.u32 $0x3, v4;
	v2 =	vld [tilespmem:s31+$0x76C0]  }
0x1cb: {  	v7 =	vor.u32 $0x3, v6;
	v5 =	vld [tilespmem:s31+$0x76D0];
	_ =	sdelay $0x3  }
0x1cc: {  	[tilespmem:v3+s15+$0x0] =	vst.idx.msk $0xffff, v2  }
0x1cd: {  	[tilespmem:v7+s15+$0x0] =	vst.idx.msk $0xffff, v5  }
0x1ce: {  	v3 =	vor.u32 $0x4, v4;
	v2 =	vld [tilespmem:s31+$0x7D00]  }
0x1cf: {  	v7 =	vor.u32 $0x4, v6;
	v5 =	vld [tilespmem:s31+$0x7D10];
	_ =	sdelay $0x3  }
0x1d0: {  	[tilespmem:v3+s15+$0x0] =	vst.idx.msk $0xffff, v2  }
0x1d1: {  	[tilespmem:v7+s15+$0x0] =	vst.idx.msk $0xffff, v5  }
0x1d2: {  	v3 =	vor.u32 $0x5, v4;
	v2 =	vld [tilespmem:s31+$0x8340]  }
0x1d3: {  	v7 =	vor.u32 $0x5, v6;
	v5 =	vld [tilespmem:s31+$0x8350];
	_ =	sdelay $0x3  }
0x1d4: {  	[tilespmem:v3+s15+$0x0] =	vst.idx.msk $0xffff, v2  }
0x1d5: {  	[tilespmem:v7+s15+$0x0] =	vst.idx.msk $0xffff, v5  }
0x1d6: {  	v3 =	vor.u32 $0x6, v4;
	v2 =	vld [tilespmem:s31+$0x8980]  }
0x1d7: {  	v7 =	vor.u32 $0x6, v6;
	v5 =	vld [tilespmem:s31+$0x8990];
	_ =	sdelay $0x3  }
0x1d8: {  	[tilespmem:v3+s15+$0x0] =	vst.idx.msk $0xffff, v2  }
0x1d9: {  	[tilespmem:v7+s15+$0x0] =	vst.idx.msk $0xffff, v5  }
0x1da: {  	v3 =	vor.u32 $0x7, v4;
	v2 =	vld [tilespmem:s31+$0x8FC0]  }
0x1db: {  	v7 =	vor.u32 $0x7, v6;
	v5 =	vld [tilespmem:s31+$0x8FD0];
	_ =	sdelay $0x3  }
0x1dc: {  	[tilespmem:v3+s15+$0x0] =	vst.idx.msk $0xffff, v2  }
0x1dd: {  	[tilespmem:v7+s15+$0x0] =	vst.idx.msk $0xffff, v5  }
0x1de: {  	v3 =	vor.u32 $0x8, v4;
	v2 =	vld [tilespmem:s31+$0x9600]  }
0x1df: {  	v7 =	vor.u32 $0x8, v6;
	v5 =	vld [tilespmem:s31+$0x9610];
	_ =	sdelay $0x3  }
0x1e0: {  	[tilespmem:v3+s15+$0x0] =	vst.idx.msk $0xffff, v2  }
0x1e1: {  	[tilespmem:v7+s15+$0x0] =	vst.idx.msk $0xffff, v5  }
0x1e2: {  	v3 =	vor.u32 $0x9, v4;
	v2 =	vld [tilespmem:s31+$0x9C40]  }
0x1e3: {  	v7 =	vor.u32 $0x9, v6;
	v5 =	vld [tilespmem:s31+$0x9C50];
	_ =	sdelay $0x3  }
0x1e4: {  	[tilespmem:v3+s15+$0x0] =	vst.idx.msk $0xffff, v2  }
0x1e5: {  	[tilespmem:v7+s15+$0x0] =	vst.idx.msk $0xffff, v5  }
0x1e6: {  	v3 =	vor.u32 $0xA, v4;
	v2 =	vld [tilespmem:s31+$0xA280]  }
0x1e7: {  	v7 =	vor.u32 $0xA, v6;
	v5 =	vld [tilespmem:s31+$0xA290];
	_ =	sdelay $0x3  }
0x1e8: {  	[tilespmem:v3+s15+$0x0] =	vst.idx.msk $0xffff, v2  }
0x1e9: {  	[tilespmem:v7+s15+$0x0] =	vst.idx.msk $0xffff, v5  }
0x1ea: {  	v3 =	vor.u32 $0xB, v4;
	v2 =	vld [tilespmem:s31+$0xA8C0]  }
0x1eb: {  	v7 =	vor.u32 $0xB, v6;
	v5 =	vld [tilespmem:s31+$0xA8D0];
	_ =	sdelay $0x3  }
0x1ec: {  	[tilespmem:v3+s15+$0x0] =	vst.idx.msk $0xffff, v2  }
0x1ed: {  	[tilespmem:v7+s15+$0x0] =	vst.idx.msk $0xffff, v5  }
0x1ee: {  	v3 =	vor.u32 $0xC, v4;
	v2 =	vld [tilespmem:s31+$0xAF00]  }
0x1ef: {  	v7 =	vor.u32 $0xC, v6;
	v5 =	vld [tilespmem:s31+$0xAF10];
	_ =	sdelay $0x3  }
0x1f0: {  	[tilespmem:v3+s15+$0x0] =	vst.idx.msk $0xffff, v2  }
0x1f1: {  	[tilespmem:v7+s15+$0x0] =	vst.idx.msk $0xffff, v5  }
0x1f2: {  	v3 =	vor.u32 $0xD, v4;
	v2 =	vld [tilespmem:s31+$0xB540]  }
0x1f3: {  	v7 =	vor.u32 $0xD, v6;
	v5 =	vld [tilespmem:s31+$0xB550];
	_ =	sdelay $0x3  }
0x1f4: {  	[tilespmem:v3+s15+$0x0] =	vst.idx.msk $0xffff, v2  }
0x1f5: {  	[tilespmem:v7+s15+$0x0] =	vst.idx.msk $0xffff, v5  }
0x1f6: {  	v3 =	vor.u32 $0xE, v4;
	v2 =	vld [tilespmem:s31+$0xBB80]  }
0x1f7: {  	v7 =	vor.u32 $0xE, v6;
	v5 =	vld [tilespmem:s31+$0xBB90];
	_ =	sdelay $0x3  }
0x1f8: {  	[tilespmem:v3+s15+$0x0] =	vst.idx.msk $0xffff, v2  }
0x1f9: {  	[tilespmem:v7+s15+$0x0] =	vst.idx.msk $0xffff, v5  }
0x1fa: {  	v7 =	vor.u32 $0xF, v4;
	v5 =	vld [tilespmem:s31+$0xC1C0]  }
0x1fb: {  	v3 =	vor.u32 $0xF, v6;
	v2 =	vld [tilespmem:s31+$0xC1D0];
	_ =	sdelay $0x2  }
0x1fc: {  	s24 =	simm.s32 $0x20  }
0x1fd: {  	s25 =	simm.s32 $0x100;
	s23 =	simm.s32 $0x20;
	v4 =	vmov s24;
	[tilespmem:v7+s15+$0x0] =	vst.idx.msk $0xffff, v5  }
.LBB2_8:
0x1fe: {  	s26 =	sshra.s32 s25, $0x2;
	p0 =	sne.s32 s25, $0x1880;
	s25 =	sadd.s32 $0x80, s25;
	v4 =	vshll.u32 v4, $0x4;
	[tilespmem:v3+s15+$0x0] =	vst.idx.msk $0xffff, v2  }
0x1ff: {  	v5 =	vld [tilespmem:s23+$0x6400];
	v2 =	vor.u32 v0, v4  }
0x200: {  	v3 =	vor.u32 v1, v4;
	v6 =	vld [tilespmem:s23+$0x6410];
	_ =	sdelay $0x3  }
0x201: {  	[tilespmem:v2+s15+$0x0] =	vst.idx.msk $0xffff, v5  }
0x202: {  	[tilespmem:v3+s15+$0x0] =	vst.idx.msk $0xffff, v6  }
0x203: {  	v5 =	vor.u32 $0x1, v2;
	v4 =	vld [tilespmem:s23+$0x6A40]  }
0x204: {  	v7 =	vor.u32 $0x1, v3;
	v6 =	vld [tilespmem:s23+$0x6A50];
	_ =	sdelay $0x3  }
0x205: {  	[tilespmem:v5+s15+$0x0] =	vst.idx.msk $0xffff, v4  }
0x206: {  	[tilespmem:v7+s15+$0x0] =	vst.idx.msk $0xffff, v6  }
0x207: {  	v5 =	vor.u32 $0x2, v2;
	v4 =	vld [tilespmem:s23+$0x7080]  }
0x208: {  	v7 =	vor.u32 $0x2, v3;
	v6 =	vld [tilespmem:s23+$0x7090];
	_ =	sdelay $0x3  }
0x209: {  	[tilespmem:v5+s15+$0x0] =	vst.idx.msk $0xffff, v4  }
0x20a: {  	[tilespmem:v7+s15+$0x0] =	vst.idx.msk $0xffff, v6  }
0x20b: {  	v5 =	vor.u32 $0x3, v2;
	v4 =	vld [tilespmem:s23+$0x76C0]  }
0x20c: {  	v7 =	vor.u32 $0x3, v3;
	v6 =	vld [tilespmem:s23+$0x76D0];
	_ =	sdelay $0x3  }
0x20d: {  	[tilespmem:v5+s15+$0x0] =	vst.idx.msk $0xffff, v4  }
0x20e: {  	[tilespmem:v7+s15+$0x0] =	vst.idx.msk $0xffff, v6  }
0x20f: {  	v5 =	vor.u32 $0x4, v2;
	v4 =	vld [tilespmem:s23+$0x7D00]  }
0x210: {  	v7 =	vor.u32 $0x4, v3;
	v6 =	vld [tilespmem:s23+$0x7D10];
	_ =	sdelay $0x3  }
0x211: {  	[tilespmem:v5+s15+$0x0] =	vst.idx.msk $0xffff, v4  }
0x212: {  	[tilespmem:v7+s15+$0x0] =	vst.idx.msk $0xffff, v6  }
0x213: {  	v5 =	vor.u32 $0x5, v2;
	v4 =	vld [tilespmem:s23+$0x8340]  }
0x214: {  	v7 =	vor.u32 $0x5, v3;
	v6 =	vld [tilespmem:s23+$0x8350];
	_ =	sdelay $0x3  }
0x215: {  	[tilespmem:v5+s15+$0x0] =	vst.idx.msk $0xffff, v4  }
0x216: {  	[tilespmem:v7+s15+$0x0] =	vst.idx.msk $0xffff, v6  }
0x217: {  	v5 =	vor.u32 $0x6, v2;
	v4 =	vld [tilespmem:s23+$0x8980]  }
0x218: {  	v7 =	vor.u32 $0x6, v3;
	v6 =	vld [tilespmem:s23+$0x8990];
	_ =	sdelay $0x3  }
0x219: {  	[tilespmem:v5+s15+$0x0] =	vst.idx.msk $0xffff, v4  }
0x21a: {  	[tilespmem:v7+s15+$0x0] =	vst.idx.msk $0xffff, v6  }
0x21b: {  	v5 =	vor.u32 $0x7, v2;
	v4 =	vld [tilespmem:s23+$0x8FC0]  }
0x21c: {  	v7 =	vor.u32 $0x7, v3;
	v6 =	vld [tilespmem:s23+$0x8FD0];
	_ =	sdelay $0x3  }
0x21d: {  	[tilespmem:v5+s15+$0x0] =	vst.idx.msk $0xffff, v4  }
0x21e: {  	[tilespmem:v7+s15+$0x0] =	vst.idx.msk $0xffff, v6  }
0x21f: {  	v5 =	vor.u32 $0x8, v2;
	v4 =	vld [tilespmem:s23+$0x9600]  }
0x220: {  	v7 =	vor.u32 $0x8, v3;
	v6 =	vld [tilespmem:s23+$0x9610];
	_ =	sdelay $0x3  }
0x221: {  	[tilespmem:v5+s15+$0x0] =	vst.idx.msk $0xffff, v4  }
0x222: {  	[tilespmem:v7+s15+$0x0] =	vst.idx.msk $0xffff, v6  }
0x223: {  	v5 =	vor.u32 $0x9, v2;
	v4 =	vld [tilespmem:s23+$0x9C40]  }
0x224: {  	v7 =	vor.u32 $0x9, v3;
	v6 =	vld [tilespmem:s23+$0x9C50];
	_ =	sdelay $0x3  }
0x225: {  	[tilespmem:v5+s15+$0x0] =	vst.idx.msk $0xffff, v4  }
0x226: {  	[tilespmem:v7+s15+$0x0] =	vst.idx.msk $0xffff, v6  }
0x227: {  	v5 =	vor.u32 $0xA, v2;
	v4 =	vld [tilespmem:s23+$0xA280]  }
0x228: {  	v7 =	vor.u32 $0xA, v3;
	v6 =	vld [tilespmem:s23+$0xA290];
	_ =	sdelay $0x3  }
0x229: {  	[tilespmem:v5+s15+$0x0] =	vst.idx.msk $0xffff, v4  }
0x22a: {  	[tilespmem:v7+s15+$0x0] =	vst.idx.msk $0xffff, v6  }
0x22b: {  	v5 =	vor.u32 $0xB, v2;
	v4 =	vld [tilespmem:s23+$0xA8C0]  }
0x22c: {  	v7 =	vor.u32 $0xB, v3;
	v6 =	vld [tilespmem:s23+$0xA8D0];
	_ =	sdelay $0x3  }
0x22d: {  	[tilespmem:v5+s15+$0x0] =	vst.idx.msk $0xffff, v4  }
0x22e: {  	[tilespmem:v7+s15+$0x0] =	vst.idx.msk $0xffff, v6  }
0x22f: {  	v5 =	vor.u32 $0xC, v2;
	v4 =	vld [tilespmem:s23+$0xAF00]  }
0x230: {  	v7 =	vor.u32 $0xC, v3;
	v6 =	vld [tilespmem:s23+$0xAF10];
	_ =	sdelay $0x3  }
0x231: {  	[tilespmem:v5+s15+$0x0] =	vst.idx.msk $0xffff, v4  }
0x232: {  	[tilespmem:v7+s15+$0x0] =	vst.idx.msk $0xffff, v6  }
0x233: {  	v5 =	vor.u32 $0xD, v2;
	v4 =	vld [tilespmem:s23+$0xB540]  }
0x234: {  	v7 =	vor.u32 $0xD, v3;
	v6 =	vld [tilespmem:s23+$0xB550];
	_ =	sdelay $0x3  }
0x235: {  	[tilespmem:v5+s15+$0x0] =	vst.idx.msk $0xffff, v4  }
0x236: {  	[tilespmem:v7+s15+$0x0] =	vst.idx.msk $0xffff, v6  }
0x237: {  	v5 =	vor.u32 $0xE, v2;
	v4 =	vld [tilespmem:s23+$0xBB80]  }
0x238: {  	v7 =	vor.u32 $0xE, v3;
	v6 =	vld [tilespmem:s23+$0xBB90];
	_ =	sdelay $0x3  }
0x239: {  	[tilespmem:v5+s15+$0x0] =	vst.idx.msk $0xffff, v4  }
0x23a: {  	[tilespmem:v7+s15+$0x0] =	vst.idx.msk $0xffff, v6  }
0x23b: {  	v6 =	vor.u32 $0xF, v2;
	v5 =	vld [tilespmem:s23+$0xC1C0]  }
.Ltmp3:
0x23c: {  	v3 =	vor.u32 $0xF, v3;
	v2 =	vld [tilespmem:s23+$0xC1D0];
	s23 =	smov.u32 s26;
	(pc) =	sbr.rel @p0 .LBB2_8-.Ltmp3, $3  }
0x23d: {  	_ =	sdelay $0x1  }
0x23e: {  	s24 =	sadd.s32 $0x20, s24  }
0x23f: {  	v4 =	vmov s24;
	[tilespmem:v6+s15+$0x0] =	vst.idx.msk $0xffff, v5  }
0x240: {  	_ =	sdelay $0x3  }
0x241: {  	v4 =	vshll.u32 v4, $0x4;
	[tilespmem:v3+s15+$0x0] =	vst.idx.msk $0xffff, v2  }
0x242: {  	v2 =	vld [tilespmem:s23+$0x6400];
	v3 =	vor.u32 v0, v4  }
0x243: {  	v5 =	vld [tilespmem:s23+$0x6410];
	v4 =	vor.u32 v1, v4;
	_ =	sdelay $0x3  }
0x244: {  	[tilespmem:v3+s15+$0x0] =	vst.idx.msk $0xffff, v2  }
0x245: {  	[tilespmem:v4+s15+$0x0] =	vst.idx.msk $0xffff, v5  }
0x246: {  	v5 =	vor.u32 $0x1, v3;
	v2 =	vld [tilespmem:s23+$0x6A40]  }
0x247: {  	v7 =	vor.u32 $0x1, v4;
	v6 =	vld [tilespmem:s23+$0x6A50];
	_ =	sdelay $0x3  }
0x248: {  	[tilespmem:v5+s15+$0x0] =	vst.idx.msk $0xffff, v2  }
0x249: {  	[tilespmem:v7+s15+$0x0] =	vst.idx.msk $0xffff, v6  }
0x24a: {  	v5 =	vor.u32 $0x2, v3;
	v2 =	vld [tilespmem:s23+$0x7080]  }
0x24b: {  	v7 =	vor.u32 $0x2, v4;
	v6 =	vld [tilespmem:s23+$0x7090];
	_ =	sdelay $0x3  }
0x24c: {  	[tilespmem:v5+s15+$0x0] =	vst.idx.msk $0xffff, v2  }
0x24d: {  	[tilespmem:v7+s15+$0x0] =	vst.idx.msk $0xffff, v6  }
0x24e: {  	v5 =	vor.u32 $0x3, v3;
	v2 =	vld [tilespmem:s23+$0x76C0]  }
0x24f: {  	v7 =	vor.u32 $0x3, v4;
	v6 =	vld [tilespmem:s23+$0x76D0];
	_ =	sdelay $0x3  }
0x250: {  	[tilespmem:v5+s15+$0x0] =	vst.idx.msk $0xffff, v2  }
0x251: {  	[tilespmem:v7+s15+$0x0] =	vst.idx.msk $0xffff, v6  }
0x252: {  	v5 =	vor.u32 $0x4, v3;
	v2 =	vld [tilespmem:s23+$0x7D00]  }
0x253: {  	v7 =	vor.u32 $0x4, v4;
	v6 =	vld [tilespmem:s23+$0x7D10];
	_ =	sdelay $0x3  }
0x254: {  	[tilespmem:v5+s15+$0x0] =	vst.idx.msk $0xffff, v2  }
0x255: {  	[tilespmem:v7+s15+$0x0] =	vst.idx.msk $0xffff, v6  }
0x256: {  	v5 =	vor.u32 $0x5, v3;
	v2 =	vld [tilespmem:s23+$0x8340]  }
0x257: {  	v7 =	vor.u32 $0x5, v4;
	v6 =	vld [tilespmem:s23+$0x8350];
	_ =	sdelay $0x3  }
0x258: {  	[tilespmem:v5+s15+$0x0] =	vst.idx.msk $0xffff, v2  }
0x259: {  	[tilespmem:v7+s15+$0x0] =	vst.idx.msk $0xffff, v6  }
0x25a: {  	v5 =	vor.u32 $0x6, v3;
	v2 =	vld [tilespmem:s23+$0x8980]  }
0x25b: {  	v7 =	vor.u32 $0x6, v4;
	v6 =	vld [tilespmem:s23+$0x8990];
	_ =	sdelay $0x3  }
0x25c: {  	[tilespmem:v5+s15+$0x0] =	vst.idx.msk $0xffff, v2  }
0x25d: {  	[tilespmem:v7+s15+$0x0] =	vst.idx.msk $0xffff, v6  }
0x25e: {  	v5 =	vor.u32 $0x7, v3;
	v2 =	vld [tilespmem:s23+$0x8FC0]  }
0x25f: {  	v7 =	vor.u32 $0x7, v4;
	v6 =	vld [tilespmem:s23+$0x8FD0];
	_ =	sdelay $0x3  }
0x260: {  	[tilespmem:v5+s15+$0x0] =	vst.idx.msk $0xffff, v2  }
0x261: {  	[tilespmem:v7+s15+$0x0] =	vst.idx.msk $0xffff, v6  }
0x262: {  	v5 =	vor.u32 $0x8, v3;
	v2 =	vld [tilespmem:s23+$0x9600]  }
0x263: {  	v7 =	vor.u32 $0x8, v4;
	v6 =	vld [tilespmem:s23+$0x9610];
	_ =	sdelay $0x3  }
0x264: {  	[tilespmem:v5+s15+$0x0] =	vst.idx.msk $0xffff, v2  }
0x265: {  	[tilespmem:v7+s15+$0x0] =	vst.idx.msk $0xffff, v6  }
0x266: {  	v5 =	vor.u32 $0x9, v3;
	v2 =	vld [tilespmem:s23+$0x9C40]  }
0x267: {  	v7 =	vor.u32 $0x9, v4;
	v6 =	vld [tilespmem:s23+$0x9C50];
	_ =	sdelay $0x3  }
0x268: {  	[tilespmem:v5+s15+$0x0] =	vst.idx.msk $0xffff, v2  }
0x269: {  	[tilespmem:v7+s15+$0x0] =	vst.idx.msk $0xffff, v6  }
0x26a: {  	v5 =	vor.u32 $0xA, v3;
	v2 =	vld [tilespmem:s23+$0xA280]  }
0x26b: {  	v7 =	vor.u32 $0xA, v4;
	v6 =	vld [tilespmem:s23+$0xA290];
	_ =	sdelay $0x3  }
0x26c: {  	[tilespmem:v5+s15+$0x0] =	vst.idx.msk $0xffff, v2  }
0x26d: {  	[tilespmem:v7+s15+$0x0] =	vst.idx.msk $0xffff, v6  }
0x26e: {  	v5 =	vor.u32 $0xB, v3;
	v2 =	vld [tilespmem:s23+$0xA8C0]  }
0x26f: {  	v7 =	vor.u32 $0xB, v4;
	v6 =	vld [tilespmem:s23+$0xA8D0];
	_ =	sdelay $0x3  }
0x270: {  	[tilespmem:v5+s15+$0x0] =	vst.idx.msk $0xffff, v2  }
0x271: {  	[tilespmem:v7+s15+$0x0] =	vst.idx.msk $0xffff, v6  }
0x272: {  	v5 =	vor.u32 $0xC, v3;
	v2 =	vld [tilespmem:s23+$0xAF00]  }
0x273: {  	v7 =	vor.u32 $0xC, v4;
	v6 =	vld [tilespmem:s23+$0xAF10];
	_ =	sdelay $0x3  }
0x274: {  	[tilespmem:v5+s15+$0x0] =	vst.idx.msk $0xffff, v2  }
0x275: {  	[tilespmem:v7+s15+$0x0] =	vst.idx.msk $0xffff, v6  }
0x276: {  	v5 =	vor.u32 $0xD, v3;
	v2 =	vld [tilespmem:s23+$0xB540]  }
0x277: {  	v7 =	vor.u32 $0xD, v4;
	v6 =	vld [tilespmem:s23+$0xB550];
	_ =	sdelay $0x3  }
0x278: {  	[tilespmem:v5+s15+$0x0] =	vst.idx.msk $0xffff, v2  }
0x279: {  	[tilespmem:v7+s15+$0x0] =	vst.idx.msk $0xffff, v6  }
0x27a: {  	v5 =	vor.u32 $0xE, v3;
	v2 =	vld [tilespmem:s23+$0xBB80]  }
0x27b: {  	v7 =	vor.u32 $0xE, v4;
	v6 =	vld [tilespmem:s23+$0xBB90];
	_ =	sdelay $0x3  }
0x27c: {  	[tilespmem:v5+s15+$0x0] =	vst.idx.msk $0xffff, v2  }
0x27d: {  	[tilespmem:v7+s15+$0x0] =	vst.idx.msk $0xffff, v6  }
0x27e: {  	v3 =	vor.u32 $0xF, v3;
	v2 =	vld [tilespmem:s23+$0xC1C0]  }
0x27f: {  	v4 =	vor.u32 $0xF, v4;
	v5 =	vld [tilespmem:s23+$0xC1D0];
	_ =	sdelay $0x3  }
0x280: {  	[tilespmem:v3+s15+$0x0] =	vst.idx.msk $0xffff, v2  }
0x281: {  	[tilespmem:v4+s15+$0x0] =	vst.idx.msk $0xffff, v5  }
0x282: {  	[hbm4b:s7+s16] =	stream.strided.scatter [tilespmem:s15], [sflag:$0x3], $0x6400, s17, s16, $0x38;
	[tilespmem:$0x1F400] =	vst v63  }
0x283: {  	_ =	swait.ge [sflag:s21], $0x6400  }
0x284: {  	[sflag:s21] =	ssyncset.done $0x0  }
0x285: {  	[sflag:s21] =	ssyncadd.s32 $0xFFFF9C00  }
0x286: {  	s30 =	simm.s32 $0x0;
	_ =	swait.ge [sflag:s18], $0x6400  }
0x287: {  	v2 =	vmov s30;
	[sflag:s18] =	ssyncset.done $0x0  }
0x288: {  	s31 =	simm.s32 $0x0;
	v2 =	vshll.u32 v2, $0x4;
	[sflag:s18] =	ssyncadd.s32 $0xFFFF9C00  }
0x289: {  	v4 =	vor.u32 v0, v2;
	v3 =	vld [tilespmem:s31+$0xC800]  }
0x28a: {  	v6 =	vor.u32 v1, v2;
	v5 =	vld [tilespmem:s31+$0xC810];
	_ =	sdelay $0x3  }
0x28b: {  	[tilespmem:v4+s19+$0x0] =	vst.idx.msk $0xffff, v3  }
0x28c: {  	[tilespmem:v6+s19+$0x0] =	vst.idx.msk $0xffff, v5  }
0x28d: {  	v3 =	vor.u32 $0x1, v4;
	v2 =	vld [tilespmem:s31+$0xCE40]  }
0x28e: {  	v7 =	vor.u32 $0x1, v6;
	v5 =	vld [tilespmem:s31+$0xCE50];
	_ =	sdelay $0x3  }
0x28f: {  	[tilespmem:v3+s19+$0x0] =	vst.idx.msk $0xffff, v2  }
0x290: {  	[tilespmem:v7+s19+$0x0] =	vst.idx.msk $0xffff, v5  }
0x291: {  	v3 =	vor.u32 $0x2, v4;
	v2 =	vld [tilespmem:s31+$0xD480]  }
0x292: {  	v7 =	vor.u32 $0x2, v6;
	v5 =	vld [tilespmem:s31+$0xD490];
	_ =	sdelay $0x3  }
0x293: {  	[tilespmem:v3+s19+$0x0] =	vst.idx.msk $0xffff, v2  }
0x294: {  	[tilespmem:v7+s19+$0x0] =	vst.idx.msk $0xffff, v5  }
0x295: {  	v3 =	vor.u32 $0x3, v4;
	v2 =	vld [tilespmem:s31+$0xDAC0]  }
0x296: {  	v7 =	vor.u32 $0x3, v6;
	v5 =	vld [tilespmem:s31+$0xDAD0];
	_ =	sdelay $0x3  }
0x297: {  	[tilespmem:v3+s19+$0x0] =	vst.idx.msk $0xffff, v2  }
0x298: {  	[tilespmem:v7+s19+$0x0] =	vst.idx.msk $0xffff, v5  }
0x299: {  	v3 =	vor.u32 $0x4, v4;
	v2 =	vld [tilespmem:s31+$0xE100]  }
0x29a: {  	v7 =	vor.u32 $0x4, v6;
	v5 =	vld [tilespmem:s31+$0xE110];
	_ =	sdelay $0x3  }
0x29b: {  	[tilespmem:v3+s19+$0x0] =	vst.idx.msk $0xffff, v2  }
0x29c: {  	[tilespmem:v7+s19+$0x0] =	vst.idx.msk $0xffff, v5  }
0x29d: {  	v3 =	vor.u32 $0x5, v4;
	v2 =	vld [tilespmem:s31+$0xE740]  }
0x29e: {  	v7 =	vor.u32 $0x5, v6;
	v5 =	vld [tilespmem:s31+$0xE750];
	_ =	sdelay $0x3  }
0x29f: {  	[tilespmem:v3+s19+$0x0] =	vst.idx.msk $0xffff, v2  }
0x2a0: {  	[tilespmem:v7+s19+$0x0] =	vst.idx.msk $0xffff, v5  }
0x2a1: {  	v3 =	vor.u32 $0x6, v4;
	v2 =	vld [tilespmem:s31+$0xED80]  }
0x2a2: {  	v7 =	vor.u32 $0x6, v6;
	v5 =	vld [tilespmem:s31+$0xED90];
	_ =	sdelay $0x3  }
0x2a3: {  	[tilespmem:v3+s19+$0x0] =	vst.idx.msk $0xffff, v2  }
0x2a4: {  	[tilespmem:v7+s19+$0x0] =	vst.idx.msk $0xffff, v5  }
0x2a5: {  	v3 =	vor.u32 $0x7, v4;
	v2 =	vld [tilespmem:s31+$0xF3C0]  }
0x2a6: {  	v7 =	vor.u32 $0x7, v6;
	v5 =	vld [tilespmem:s31+$0xF3D0];
	_ =	sdelay $0x3  }
0x2a7: {  	[tilespmem:v3+s19+$0x0] =	vst.idx.msk $0xffff, v2  }
0x2a8: {  	[tilespmem:v7+s19+$0x0] =	vst.idx.msk $0xffff, v5  }
0x2a9: {  	v3 =	vor.u32 $0x8, v4;
	v2 =	vld [tilespmem:s31+$0xFA00]  }
0x2aa: {  	v7 =	vor.u32 $0x8, v6;
	v5 =	vld [tilespmem:s31+$0xFA10];
	_ =	sdelay $0x3  }
0x2ab: {  	[tilespmem:v3+s19+$0x0] =	vst.idx.msk $0xffff, v2  }
0x2ac: {  	[tilespmem:v7+s19+$0x0] =	vst.idx.msk $0xffff, v5  }
0x2ad: {  	v3 =	vor.u32 $0x9, v4;
	v2 =	vld [tilespmem:s31+$0x10040]  }
0x2ae: {  	v7 =	vor.u32 $0x9, v6;
	v5 =	vld [tilespmem:s31+$0x10050];
	_ =	sdelay $0x3  }
0x2af: {  	[tilespmem:v3+s19+$0x0] =	vst.idx.msk $0xffff, v2  }
0x2b0: {  	[tilespmem:v7+s19+$0x0] =	vst.idx.msk $0xffff, v5  }
0x2b1: {  	v3 =	vor.u32 $0xA, v4;
	v2 =	vld [tilespmem:s31+$0x10680]  }
0x2b2: {  	v7 =	vor.u32 $0xA, v6;
	v5 =	vld [tilespmem:s31+$0x10690];
	_ =	sdelay $0x3  }
0x2b3: {  	[tilespmem:v3+s19+$0x0] =	vst.idx.msk $0xffff, v2  }
0x2b4: {  	[tilespmem:v7+s19+$0x0] =	vst.idx.msk $0xffff, v5  }
0x2b5: {  	v3 =	vor.u32 $0xB, v4;
	v2 =	vld [tilespmem:s31+$0x10CC0]  }
0x2b6: {  	v7 =	vor.u32 $0xB, v6;
	v5 =	vld [tilespmem:s31+$0x10CD0];
	_ =	sdelay $0x3  }
0x2b7: {  	[tilespmem:v3+s19+$0x0] =	vst.idx.msk $0xffff, v2  }
0x2b8: {  	[tilespmem:v7+s19+$0x0] =	vst.idx.msk $0xffff, v5  }
0x2b9: {  	v3 =	vor.u32 $0xC, v4;
	v2 =	vld [tilespmem:s31+$0x11300]  }
0x2ba: {  	v7 =	vor.u32 $0xC, v6;
	v5 =	vld [tilespmem:s31+$0x11310];
	_ =	sdelay $0x3  }
0x2bb: {  	[tilespmem:v3+s19+$0x0] =	vst.idx.msk $0xffff, v2  }
0x2bc: {  	[tilespmem:v7+s19+$0x0] =	vst.idx.msk $0xffff, v5  }
0x2bd: {  	v3 =	vor.u32 $0xD, v4;
	v2 =	vld [tilespmem:s31+$0x11940]  }
0x2be: {  	v7 =	vor.u32 $0xD, v6;
	v5 =	vld [tilespmem:s31+$0x11950];
	_ =	sdelay $0x3  }
0x2bf: {  	[tilespmem:v3+s19+$0x0] =	vst.idx.msk $0xffff, v2  }
0x2c0: {  	[tilespmem:v7+s19+$0x0] =	vst.idx.msk $0xffff, v5  }
0x2c1: {  	v3 =	vor.u32 $0xE, v4;
	v2 =	vld [tilespmem:s31+$0x11F80]  }
0x2c2: {  	v7 =	vor.u32 $0xE, v6;
	v5 =	vld [tilespmem:s31+$0x11F90];
	_ =	sdelay $0x3  }
0x2c3: {  	[tilespmem:v3+s19+$0x0] =	vst.idx.msk $0xffff, v2  }
0x2c4: {  	[tilespmem:v7+s19+$0x0] =	vst.idx.msk $0xffff, v5  }
0x2c5: {  	v7 =	vor.u32 $0xF, v4;
	v5 =	vld [tilespmem:s31+$0x125C0]  }
0x2c6: {  	v3 =	vor.u32 $0xF, v6;
	v2 =	vld [tilespmem:s31+$0x125D0];
	_ =	sdelay $0x2  }
0x2c7: {  	s24 =	simm.s32 $0x20  }
0x2c8: {  	s25 =	simm.s32 $0x100;
	s23 =	simm.s32 $0x20;
	v4 =	vmov s24;
	[tilespmem:v7+s19+$0x0] =	vst.idx.msk $0xffff, v5  }
.LBB2_10:
0x2c9: {  	s26 =	sshra.s32 s25, $0x2;
	p0 =	sne.s32 s25, $0x1880;
	s25 =	sadd.s32 $0x80, s25;
	v4 =	vshll.u32 v4, $0x4;
	[tilespmem:v3+s19+$0x0] =	vst.idx.msk $0xffff, v2  }
0x2ca: {  	v5 =	vld [tilespmem:s23+$0xC800];
	v2 =	vor.u32 v0, v4  }
0x2cb: {  	v3 =	vor.u32 v1, v4;
	v6 =	vld [tilespmem:s23+$0xC810];
	_ =	sdelay $0x3  }
0x2cc: {  	[tilespmem:v2+s19+$0x0] =	vst.idx.msk $0xffff, v5  }
0x2cd: {  	[tilespmem:v3+s19+$0x0] =	vst.idx.msk $0xffff, v6  }
0x2ce: {  	v5 =	vor.u32 $0x1, v2;
	v4 =	vld [tilespmem:s23+$0xCE40]  }
0x2cf: {  	v7 =	vor.u32 $0x1, v3;
	v6 =	vld [tilespmem:s23+$0xCE50];
	_ =	sdelay $0x3  }
0x2d0: {  	[tilespmem:v5+s19+$0x0] =	vst.idx.msk $0xffff, v4  }
0x2d1: {  	[tilespmem:v7+s19+$0x0] =	vst.idx.msk $0xffff, v6  }
0x2d2: {  	v5 =	vor.u32 $0x2, v2;
	v4 =	vld [tilespmem:s23+$0xD480]  }
0x2d3: {  	v7 =	vor.u32 $0x2, v3;
	v6 =	vld [tilespmem:s23+$0xD490];
	_ =	sdelay $0x3  }
0x2d4: {  	[tilespmem:v5+s19+$0x0] =	vst.idx.msk $0xffff, v4  }
0x2d5: {  	[tilespmem:v7+s19+$0x0] =	vst.idx.msk $0xffff, v6  }
0x2d6: {  	v5 =	vor.u32 $0x3, v2;
	v4 =	vld [tilespmem:s23+$0xDAC0]  }
0x2d7: {  	v7 =	vor.u32 $0x3, v3;
	v6 =	vld [tilespmem:s23+$0xDAD0];
	_ =	sdelay $0x3  }
0x2d8: {  	[tilespmem:v5+s19+$0x0] =	vst.idx.msk $0xffff, v4  }
0x2d9: {  	[tilespmem:v7+s19+$0x0] =	vst.idx.msk $0xffff, v6  }
0x2da: {  	v5 =	vor.u32 $0x4, v2;
	v4 =	vld [tilespmem:s23+$0xE100]  }
0x2db: {  	v7 =	vor.u32 $0x4, v3;
	v6 =	vld [tilespmem:s23+$0xE110];
	_ =	sdelay $0x3  }
0x2dc: {  	[tilespmem:v5+s19+$0x0] =	vst.idx.msk $0xffff, v4  }
0x2dd: {  	[tilespmem:v7+s19+$0x0] =	vst.idx.msk $0xffff, v6  }
0x2de: {  	v5 =	vor.u32 $0x5, v2;
	v4 =	vld [tilespmem:s23+$0xE740]  }
0x2df: {  	v7 =	vor.u32 $0x5, v3;
	v6 =	vld [tilespmem:s23+$0xE750];
	_ =	sdelay $0x3  }
0x2e0: {  	[tilespmem:v5+s19+$0x0] =	vst.idx.msk $0xffff, v4  }
0x2e1: {  	[tilespmem:v7+s19+$0x0] =	vst.idx.msk $0xffff, v6  }
0x2e2: {  	v5 =	vor.u32 $0x6, v2;
	v4 =	vld [tilespmem:s23+$0xED80]  }
0x2e3: {  	v7 =	vor.u32 $0x6, v3;
	v6 =	vld [tilespmem:s23+$0xED90];
	_ =	sdelay $0x3  }
0x2e4: {  	[tilespmem:v5+s19+$0x0] =	vst.idx.msk $0xffff, v4  }
0x2e5: {  	[tilespmem:v7+s19+$0x0] =	vst.idx.msk $0xffff, v6  }
0x2e6: {  	v5 =	vor.u32 $0x7, v2;
	v4 =	vld [tilespmem:s23+$0xF3C0]  }
0x2e7: {  	v7 =	vor.u32 $0x7, v3;
	v6 =	vld [tilespmem:s23+$0xF3D0];
	_ =	sdelay $0x3  }
0x2e8: {  	[tilespmem:v5+s19+$0x0] =	vst.idx.msk $0xffff, v4  }
0x2e9: {  	[tilespmem:v7+s19+$0x0] =	vst.idx.msk $0xffff, v6  }
0x2ea: {  	v5 =	vor.u32 $0x8, v2;
	v4 =	vld [tilespmem:s23+$0xFA00]  }
0x2eb: {  	v7 =	vor.u32 $0x8, v3;
	v6 =	vld [tilespmem:s23+$0xFA10];
	_ =	sdelay $0x3  }
0x2ec: {  	[tilespmem:v5+s19+$0x0] =	vst.idx.msk $0xffff, v4  }
0x2ed: {  	[tilespmem:v7+s19+$0x0] =	vst.idx.msk $0xffff, v6  }
0x2ee: {  	v5 =	vor.u32 $0x9, v2;
	v4 =	vld [tilespmem:s23+$0x10040]  }
0x2ef: {  	v7 =	vor.u32 $0x9, v3;
	v6 =	vld [tilespmem:s23+$0x10050];
	_ =	sdelay $0x3  }
0x2f0: {  	[tilespmem:v5+s19+$0x0] =	vst.idx.msk $0xffff, v4  }
0x2f1: {  	[tilespmem:v7+s19+$0x0] =	vst.idx.msk $0xffff, v6  }
0x2f2: {  	v5 =	vor.u32 $0xA, v2;
	v4 =	vld [tilespmem:s23+$0x10680]  }
0x2f3: {  	v7 =	vor.u32 $0xA, v3;
	v6 =	vld [tilespmem:s23+$0x10690];
	_ =	sdelay $0x3  }
0x2f4: {  	[tilespmem:v5+s19+$0x0] =	vst.idx.msk $0xffff, v4  }
0x2f5: {  	[tilespmem:v7+s19+$0x0] =	vst.idx.msk $0xffff, v6  }
0x2f6: {  	v5 =	vor.u32 $0xB, v2;
	v4 =	vld [tilespmem:s23+$0x10CC0]  }
0x2f7: {  	v7 =	vor.u32 $0xB, v3;
	v6 =	vld [tilespmem:s23+$0x10CD0];
	_ =	sdelay $0x3  }
0x2f8: {  	[tilespmem:v5+s19+$0x0] =	vst.idx.msk $0xffff, v4  }
0x2f9: {  	[tilespmem:v7+s19+$0x0] =	vst.idx.msk $0xffff, v6  }
0x2fa: {  	v5 =	vor.u32 $0xC, v2;
	v4 =	vld [tilespmem:s23+$0x11300]  }
0x2fb: {  	v7 =	vor.u32 $0xC, v3;
	v6 =	vld [tilespmem:s23+$0x11310];
	_ =	sdelay $0x3  }
0x2fc: {  	[tilespmem:v5+s19+$0x0] =	vst.idx.msk $0xffff, v4  }
0x2fd: {  	[tilespmem:v7+s19+$0x0] =	vst.idx.msk $0xffff, v6  }
0x2fe: {  	v5 =	vor.u32 $0xD, v2;
	v4 =	vld [tilespmem:s23+$0x11940]  }
0x2ff: {  	v7 =	vor.u32 $0xD, v3;
	v6 =	vld [tilespmem:s23+$0x11950];
	_ =	sdelay $0x3  }
0x300: {  	[tilespmem:v5+s19+$0x0] =	vst.idx.msk $0xffff, v4  }
0x301: {  	[tilespmem:v7+s19+$0x0] =	vst.idx.msk $0xffff, v6  }
0x302: {  	v5 =	vor.u32 $0xE, v2;
	v4 =	vld [tilespmem:s23+$0x11F80]  }
0x303: {  	v7 =	vor.u32 $0xE, v3;
	v6 =	vld [tilespmem:s23+$0x11F90];
	_ =	sdelay $0x3  }
0x304: {  	[tilespmem:v5+s19+$0x0] =	vst.idx.msk $0xffff, v4  }
0x305: {  	[tilespmem:v7+s19+$0x0] =	vst.idx.msk $0xffff, v6  }
0x306: {  	v6 =	vor.u32 $0xF, v2;
	v5 =	vld [tilespmem:s23+$0x125C0]  }
.Ltmp4:
0x307: {  	v3 =	vor.u32 $0xF, v3;
	v2 =	vld [tilespmem:s23+$0x125D0];
	s23 =	smov.u32 s26;
	(pc) =	sbr.rel @p0 .LBB2_10-.Ltmp4, $3  }
0x308: {  	_ =	sdelay $0x1  }
0x309: {  	s24 =	sadd.s32 $0x20, s24  }
0x30a: {  	v4 =	vmov s24;
	[tilespmem:v6+s19+$0x0] =	vst.idx.msk $0xffff, v5  }
0x30b: {  	_ =	sdelay $0x3  }
0x30c: {  	v4 =	vshll.u32 v4, $0x4;
	[tilespmem:v3+s19+$0x0] =	vst.idx.msk $0xffff, v2  }
0x30d: {  	v2 =	vld [tilespmem:s23+$0xC800];
	v3 =	vor.u32 v0, v4  }
0x30e: {  	v5 =	vld [tilespmem:s23+$0xC810];
	v4 =	vor.u32 v1, v4;
	_ =	sdelay $0x3  }
0x30f: {  	[tilespmem:v3+s19+$0x0] =	vst.idx.msk $0xffff, v2  }
0x310: {  	[tilespmem:v4+s19+$0x0] =	vst.idx.msk $0xffff, v5  }
0x311: {  	v37 =	vor.u32 $0x1, v3;
	v2 =	vld [tilespmem:s23+$0xCE40]  }
0x312: {  	v7 =	vor.u32 $0x1, v4;
	v6 =	vld [tilespmem:s23+$0xCE50];
	_ =	sdelay $0x3  }
0x313: {  	[tilespmem:v37+s19+$0x0] =	vst.idx.msk $0xffff, v2  }
0x314: {  	[tilespmem:v7+s19+$0x0] =	vst.idx.msk $0xffff, v6  }
0x315: {  	v38 =	vor.u32 $0x2, v3;
	v2 =	vld [tilespmem:s23+$0xD480]  }
0x316: {  	v39 =	vor.u32 $0x2, v4;
	v6 =	vld [tilespmem:s23+$0xD490];
	_ =	sdelay $0x3  }
0x317: {  	[tilespmem:v38+s19+$0x0] =	vst.idx.msk $0xffff, v2  }
0x318: {  	[tilespmem:v39+s19+$0x0] =	vst.idx.msk $0xffff, v6  }
0x319: {  	v40 =	vor.u32 $0x3, v3;
	v2 =	vld [tilespmem:s23+$0xDAC0]  }
0x31a: {  	v41 =	vor.u32 $0x3, v4;
	v6 =	vld [tilespmem:s23+$0xDAD0];
	_ =	sdelay $0x3  }
0x31b: {  	[tilespmem:v40+s19+$0x0] =	vst.idx.msk $0xffff, v2  }
0x31c: {  	[tilespmem:v41+s19+$0x0] =	vst.idx.msk $0xffff, v6  }
0x31d: {  	v42 =	vor.u32 $0x4, v3;
	v2 =	vld [tilespmem:s23+$0xE100]  }
0x31e: {  	v43 =	vor.u32 $0x4, v4;
	v6 =	vld [tilespmem:s23+$0xE110];
	_ =	sdelay $0x3  }
0x31f: {  	[tilespmem:v42+s19+$0x0] =	vst.idx.msk $0xffff, v2  }
0x320: {  	[tilespmem:v43+s19+$0x0] =	vst.idx.msk $0xffff, v6  }
0x321: {  	v44 =	vor.u32 $0x5, v3;
	v2 =	vld [tilespmem:s23+$0xE740]  }
0x322: {  	v45 =	vor.u32 $0x5, v4;
	v6 =	vld [tilespmem:s23+$0xE750];
	_ =	sdelay $0x3  }
0x323: {  	[tilespmem:v44+s19+$0x0] =	vst.idx.msk $0xffff, v2  }
0x324: {  	[tilespmem:v45+s19+$0x0] =	vst.idx.msk $0xffff, v6  }
0x325: {  	v46 =	vor.u32 $0x6, v3;
	v2 =	vld [tilespmem:s23+$0xED80]  }
0x326: {  	v47 =	vor.u32 $0x6, v4;
	v6 =	vld [tilespmem:s23+$0xED90];
	_ =	sdelay $0x3  }
0x327: {  	[tilespmem:v46+s19+$0x0] =	vst.idx.msk $0xffff, v2  }
0x328: {  	[tilespmem:v47+s19+$0x0] =	vst.idx.msk $0xffff, v6  }
0x329: {  	v48 =	vor.u32 $0x7, v3;
	v2 =	vld [tilespmem:s23+$0xF3C0]  }
0x32a: {  	v49 =	vor.u32 $0x7, v4;
	v6 =	vld [tilespmem:s23+$0xF3D0];
	_ =	sdelay $0x3  }
0x32b: {  	[tilespmem:v48+s19+$0x0] =	vst.idx.msk $0xffff, v2  }
0x32c: {  	[tilespmem:v49+s19+$0x0] =	vst.idx.msk $0xffff, v6  }
0x32d: {  	v50 =	vor.u32 $0x8, v3;
	v2 =	vld [tilespmem:s23+$0xFA00]  }
0x32e: {  	v51 =	vor.u32 $0x8, v4;
	v6 =	vld [tilespmem:s23+$0xFA10];
	_ =	sdelay $0x3  }
0x32f: {  	[tilespmem:v50+s19+$0x0] =	vst.idx.msk $0xffff, v2  }
0x330: {  	[tilespmem:v51+s19+$0x0] =	vst.idx.msk $0xffff, v6  }
0x331: {  	v52 =	vor.u32 $0x9, v3;
	v2 =	vld [tilespmem:s23+$0x10040]  }
0x332: {  	v53 =	vor.u32 $0x9, v4;
	v6 =	vld [tilespmem:s23+$0x10050];
	_ =	sdelay $0x3  }
0x333: {  	[tilespmem:v52+s19+$0x0] =	vst.idx.msk $0xffff, v2  }
0x334: {  	[tilespmem:v53+s19+$0x0] =	vst.idx.msk $0xffff, v6  }
0x335: {  	v54 =	vor.u32 $0xA, v3;
	v2 =	vld [tilespmem:s23+$0x10680]  }
0x336: {  	v55 =	vor.u32 $0xA, v4;
	v6 =	vld [tilespmem:s23+$0x10690];
	_ =	sdelay $0x3  }
0x337: {  	[tilespmem:v54+s19+$0x0] =	vst.idx.msk $0xffff, v2  }
0x338: {  	[tilespmem:v55+s19+$0x0] =	vst.idx.msk $0xffff, v6  }
0x339: {  	v56 =	vor.u32 $0xB, v3;
	v2 =	vld [tilespmem:s23+$0x10CC0]  }
0x33a: {  	v57 =	vor.u32 $0xB, v4;
	v6 =	vld [tilespmem:s23+$0x10CD0];
	_ =	sdelay $0x3  }
0x33b: {  	[tilespmem:v56+s19+$0x0] =	vst.idx.msk $0xffff, v2  }
0x33c: {  	[tilespmem:v57+s19+$0x0] =	vst.idx.msk $0xffff, v6  }
0x33d: {  	v58 =	vor.u32 $0xC, v3;
	v2 =	vld [tilespmem:s23+$0x11300]  }
0x33e: {  	v59 =	vor.u32 $0xC, v4;
	v6 =	vld [tilespmem:s23+$0x11310];
	_ =	sdelay $0x3  }
0x33f: {  	[tilespmem:v58+s19+$0x0] =	vst.idx.msk $0xffff, v2  }
0x340: {  	[tilespmem:v59+s19+$0x0] =	vst.idx.msk $0xffff, v6  }
0x341: {  	v60 =	vor.u32 $0xD, v3;
	v2 =	vld [tilespmem:s23+$0x11940]  }
0x342: {  	v61 =	vor.u32 $0xD, v4;
	v6 =	vld [tilespmem:s23+$0x11950];
	_ =	sdelay $0x3  }
0x343: {  	[tilespmem:v60+s19+$0x0] =	vst.idx.msk $0xffff, v2  }
0x344: {  	[tilespmem:v61+s19+$0x0] =	vst.idx.msk $0xffff, v6  }
0x345: {  	v62 =	vor.u32 $0xE, v3;
	v2 =	vld [tilespmem:s23+$0x11F80]  }
0x346: {  	v63 =	vor.u32 $0xE, v4;
	v6 =	vld [tilespmem:s23+$0x11F90];
	_ =	sdelay $0x3  }
0x347: {  	[tilespmem:v62+s19+$0x0] =	vst.idx.msk $0xffff, v2  }
0x348: {  	[tilespmem:v63+s19+$0x0] =	vst.idx.msk $0xffff, v6  }
0x349: {  	v3 =	vor.u32 $0xF, v3;
	v2 =	vld [tilespmem:s23+$0x125C0]  }
0x34a: {  	v4 =	vor.u32 $0xF, v4;
	v5 =	vld [tilespmem:s23+$0x125D0];
	_ =	sdelay $0x3  }
0x34b: {  	[tilespmem:v3+s19+$0x0] =	vst.idx.msk $0xffff, v2  }
0x34c: {  	s22 =	sadd.s32 $0x1, s22;
	[tilespmem:v4+s19+$0x0] =	vst.idx.msk $0xffff, v5  }
0x34d: {  	[hbm4b:s8+s16] =	stream.strided.scatter [tilespmem:s19], [sflag:$0x4], $0x6400, s17, s16, $0x38;
	[tilespmem:$0x1F400] =	vst v63  }
0x34e: {  	p0 =	sne.s32 s22, s9;
	_ =	swait.ge [sflag:s20], $0x6400  }
.Ltmp5:
0x34f: {  	[sflag:s20] =	ssyncset.done $0x0;
	(pc) =	sbr.rel @p0 .LBB2_1-.Ltmp5, $4  }
0x350: {  	[sflag:s20] =	ssyncadd.s32 $0xFFFF9C00  }
0x351: {  	_ =	swait.ge [sflag:s21], $0x6400  }
0x352: {  	[sflag:s21] =	ssyncset.done $0x0  }
0x353: {  	[sflag:s21] =	ssyncadd.s32 $0xFFFF9C00  }
0x354: {  	_ =	sfence.sel $0x180000  }
0x355: {  	[bflag:$0x0] =	sbarrier.arrive $0xFFFF  }
0x356: {  	p0 =	sne.s32 s1, $0x0;
	_ =	strace $0x90000047  }
0x357: {  	s0 =	sadd.s32 @!p0 $0x100000, s0;
	[bflag:$0x2] =	sbarrier.arrive $0xFFFF  }
0x358: {  	[sflag:s0] =	ssyncadd.tile.s32 @!p0 $0x1;
	_ =	shalt  }
.Lfunc_end2:
_tile_overlayer_lowered:
.L_overlay_start_2:
0x359: {  	(tag) =	ssettag $0x2  }
0x35a: {  	s0 =	rddreg [dreg:$0x0];
	s2 =	stileid.u32  }
0x35b: {  	s1 =	rddreg [dreg:$0x1];
	p0 =	sne.s32 s2, $0x0  }
0x35c: {  	s3 =	rddreg [dreg:$0x2];
	[bflag:$0x3] =	sbarrier.arrive $0xFFFF;
	s2 =	simm.s32 @!p0 $0x1C05  }
0x35d: {  	[timem:s3], [sflag:s2] =	dma.local @!p0 [hbm:s0], s1  }
0x35e: {  	s0 =	simm.s32 @!p0 $0x5  }
0x35f: {  	_ =	swait.ge @!p0 [sflag:s0], s1  }
0x360: {  	s1 =	ssub.s32 @!p0 $0x0, s1;
	[sflag:s0] =	ssyncset.done @!p0 $0x0  }
0x361: {  	[sflag:s0] =	ssyncadd.s32 @!p0 s1  }
0x362: {  	[bflag:$0x3] =	sbarrier.arrive $0xFFFF  }
0x363: {  	_ =	shalt  }

</sc_bundles>
